<compile_context>
chip_gen: v7x
topology: tpu7x:2x2x1
jax: 0.10.2.dev20260603
libtpu: 0.0.44.dev20260713+nightly
codegen_flags: <defaults>
</compile_context>

<pallas_src>
import functools

import jax
import jax.numpy as jnp
from jax import lax
from jax.experimental import pallas as pl
from jax.experimental.pallas import tpu as pltpu
from jax.experimental.pallas import tpu_sc as plsc

BATCH = 4
SEQ = 8192
N = BATCH * SEQ
D = 1024
NW = 32
ROWS_PER_W = N // NW
UNROLL = 16
NBLK = ROWS_PER_W // UNROLL
LOCAL_JS = tuple(j for j in range(UNROLL) if j % 4 == 3)
N_LOCAL = NBLK * len(LOCAL_JS)
N_STREAM = ROWS_PER_W - N_LOCAL


def _make_kernel():
    mesh = plsc.VectorSubcoreMesh(core_axis_name="c", subcore_axis_name="s")

    @functools.partial(
        pl.kernel,
        mesh=mesh,
        out_type=jax.ShapeDtypeStruct((BATCH, SEQ, D), jnp.float32),
        scratch_types=[
            pltpu.VMEM((ROWS_PER_W,), jnp.int32),
            pltpu.VMEM((2, D), jnp.float32),
            pltpu.VMEM_SHARED((2, D), jnp.float32),
            pltpu.SemaphoreType.DMA,
            pltpu.SemaphoreType.DMA,
        ],
    )
    def k(ids_hbm, table_hbm, out_hbm, idx_v, tab_v, tab_sp, sem, lsem):
        sid = lax.axis_index("s")
        wid = sid * 2 + lax.axis_index("c")
        b = wid // (SEQ // ROWS_PER_W)
        s0 = (wid % (SEQ // ROWS_PER_W)) * ROWS_PER_W
        cp_idx = pltpu.async_copy(ids_hbm.at[b, pl.ds(s0, ROWS_PER_W)],
                                  idx_v, sem)
        cp_tab = pltpu.async_copy(table_hbm, tab_v, sem)

        @pl.when(sid == 0)
        def _stage_shared():
            pltpu.async_copy(table_hbm, tab_sp, lsem).wait()

        cp_idx.wait()
        cp_tab.wait()
        plsc.subcore_barrier()

        def body(blk, _):
            r0 = blk * UNROLL
            v = idx_v[pl.ds(r0, 16)]
            for j in range(UNROLL):
                t = v[j]
                if j in LOCAL_JS:
                    pltpu.async_copy(tab_sp.at[t],
                                     out_hbm.at[b, s0 + r0 + j], lsem)
                else:
                    pltpu.async_copy(tab_v.at[t],
                                     out_hbm.at[b, s0 + r0 + j], sem)
            return _

        lax.fori_loop(0, NBLK, body, None)
        pltpu.make_async_copy(
            out_hbm.at[b, pl.ds(s0, N_STREAM)],
            out_hbm.at[b, pl.ds(s0, N_STREAM)],
            sem,
        ).wait()
        pltpu.make_async_copy(
            out_hbm.at[b, pl.ds(s0, N_LOCAL)],
            out_hbm.at[b, pl.ds(s0, N_LOCAL)],
            lsem,
        ).wait()

    return k


_k = _make_kernel()


def kernel(token_type_ids, table):
    return _k(token_type_ids.astype(jnp.int32), table.astype(jnp.float32))

# --- scband reference (transcript-rebuilt; emitter-appended) ---
"""Pipeline reference for scband-token-type-embedding-21148418966012 (READ-ONLY COPY).

The authoritative reference and input builder live on the scoring server;
editing this copy changes nothing except your own understanding.
"""

import jax, jax.numpy as jnp
import numpy as np

TYPE_VOCAB_SIZE = 2
EMBED_DIM = 1024
BATCH = 4
SEQ_LEN = 8192

def setup_inputs(seed: int = 0) -> dict:
    key = jax.random.key(seed)
    k_idx, k_w = jax.random.split(key)
    token_type_ids = jax.random.randint(k_idx, (BATCH, SEQ_LEN), 0, TYPE_VOCAB_SIZE, dtype=jnp.int64 if jax.config.jax_enable_x64 else jnp.int32)
    # nn.Embedding default init: N(0, 1)
    table = jax.random.normal(k_w, (TYPE_VOCAB_SIZE, EMBED_DIM), dtype=jnp.float32)
    return {"token_type_ids": token_type_ids, "table": table}

def reference(token_type_ids, table):
    # Faithful translation of nn.Embedding forward: row gather from the table.
    return jnp.take(table, token_type_ids, axis=0)

if __name__ == "__main__":
    import jax
    _d = setup_inputs()
    print(jax.jit(kernel)(*tuple(_d.values())))

</pallas_src>

<mosaic_0001>
#map = affine_map<(d0, d1) -> (0, 0)>
#map1 = affine_map<(d0, d1) -> (0, 0, 0)>
module attributes {stable_mosaic.version = 14 : i64} {
  func.func @k(%arg0: i32, %arg1: i32, %arg2: memref<4x8192xi32, #tpu.memory_space<hbm>>, %arg3: memref<2x1024xf32, #tpu.memory_space<hbm>>, %arg4: memref<4x8192x1024xf32, #tpu.memory_space<hbm>>, %arg5: memref<1024xi32, #tpu.memory_space<vmem>>, %arg6: memref<2x1024xf32, #tpu.memory_space<vmem>>, %arg7: memref<2x1024xf32, #tpu.memory_space<vmem_shared>>, %arg8: memref<!tpu.dma_semaphore, #tpu.memory_space<semaphore_mem>>, %arg9: memref<!tpu.dma_semaphore, #tpu.memory_space<semaphore_mem>>) attributes {dimension_semantics = [#tpu.dimension_semantics<core_parallel>, #tpu.dimension_semantics<subcore_parallel>], iteration_bounds = array<i64: 2, 16>, scalar_prefetch = 0 : i64, scratch_operands = 5 : i64, tpu.core_type = #tpu.core_type<sc_vector_subcore>, window_params = [{transform_indices = #map}, {transform_indices = #map}, {transform_indices = #map1}]} {
    %mul3A = arith.constant 2 : i32
    %mul3A_0 = arith.muli %arg1, %mul3A : i32
    %add3A = arith.addi %mul3A_0, %arg0 : i32
    %jit3A = arith.constant 8 : i32
    %div3A = arith.divsi %add3A, %jit3A : i32
    %sign3A = arith.constant 0 : i32
    %sign3A_1 = arith.cmpi sgt, %add3A, %sign3A : i32
    %sign3A_2 = arith.extui %sign3A_1 : i1 to i32
    %sign3A_3 = arith.constant 0 : i32
    %sign3A_4 = arith.cmpi slt, %add3A, %sign3A_3 : i32
    %sign3A_5 = arith.extui %sign3A_4 : i1 to i32
    %sign3A_6 = arith.subi %sign3A_2, %sign3A_5 : i32
    %sign3A_7 = arith.constant 0 : i32
    %sign3A_8 = arith.cmpi sgt, %jit3A, %sign3A_7 : i32
    %sign3A_9 = arith.extui %sign3A_8 : i1 to i32
    %sign3A_10 = arith.constant 0 : i32
    %sign3A_11 = arith.cmpi slt, %jit3A, %sign3A_10 : i32
    %sign3A_12 = arith.extui %sign3A_11 : i1 to i32
    %sign3A_13 = arith.subi %sign3A_9, %sign3A_12 : i32
    %ne3A = arith.cmpi ne, %sign3A_6, %sign3A_13 : i32
    %rem3A = arith.remsi %add3A, %jit3A : i32
    %ne3A_14 = arith.constant 0 : i32
    %ne3A_15 = arith.cmpi ne, %rem3A, %ne3A_14 : i32
    %and3A = arith.andi %ne3A, %ne3A_15 : i1
    %sub3A = arith.constant 1 : i32
    %sub3A_16 = arith.subi %div3A, %sub3A : i32
    %select_n3A = arith.select %and3A, %sub3A_16, %div3A : i32
    %jit3A_17 = arith.constant 8 : i32
    %eq3A = arith.constant 0 : i32
    %eq3A_18 = arith.cmpi eq, %jit3A_17, %eq3A : i32
    %jit3A_19 = arith.constant 1 : i32
    %select_n3A_20 = arith.select %eq3A_18, %jit3A_19, %jit3A_17 : i32
    %rem3A_21 = arith.remsi %add3A, %select_n3A_20 : i32
    %ne3A_22 = arith.constant 0 : i32
    %ne3A_23 = arith.cmpi ne, %rem3A_21, %ne3A_22 : i32
    %lt3A = arith.constant 0 : i32
    %lt3A_24 = arith.cmpi slt, %rem3A_21, %lt3A : i32
    %lt3A_25 = arith.constant 0 : i32
    %lt3A_26 = arith.cmpi slt, %select_n3A_20, %lt3A_25 : i32
    %ne3A_27 = arith.xori %lt3A_24, %lt3A_26 : i1
    %and3A_28 = arith.andi %ne3A_27, %ne3A_23 : i1
    %add3A_29 = arith.addi %rem3A_21, %select_n3A_20 : i32
    %select_n3A_30 = arith.select %and3A_28, %add3A_29, %rem3A_21 : i32
    %mul3A_31 = arith.constant 1024 : i32
    %mul3A_32 = arith.muli %select_n3A_30, %mul3A_31 : i32
    %dma_start3A = tpu.memref_slice %arg2[%select_n3A, %mul3A_32] : memref<4x8192xi32, #tpu.memory_space<hbm>> -> memref<1x1024xi32, #tpu.memory_space<hbm>>
    %dma_start3A_33 = tpu.memref_squeeze %dma_start3A : memref<1x1024xi32, #tpu.memory_space<hbm>> -> memref<1024xi32, #tpu.memory_space<hbm>>
    %dma_start3A_34 = tpu.memref_slice %arg2[%select_n3A, %mul3A_32] : memref<4x8192xi32, #tpu.memory_space<hbm>> -> memref<1x1024xi32, #tpu.memory_space<hbm>>
    %dma_start3A_35 = tpu.memref_squeeze %dma_start3A_34 : memref<1x1024xi32, #tpu.memory_space<hbm>> -> memref<1024xi32, #tpu.memory_space<hbm>>
    tpu.enqueue_dma source(%dma_start3A_35 : memref<1024xi32, #tpu.memory_space<hbm>>) target(%arg5 : memref<1024xi32, #tpu.memory_space<vmem>>) target_semaphore(%arg8 : memref<!tpu.dma_semaphore, #tpu.memory_space<semaphore_mem>>)
    tpu.enqueue_dma source(%arg3 : memref<2x1024xf32, #tpu.memory_space<hbm>>) target(%arg6 : memref<2x1024xf32, #tpu.memory_space<vmem>>) target_semaphore(%arg8 : memref<!tpu.dma_semaphore, #tpu.memory_space<semaphore_mem>>)
    %eq3A_36 = arith.constant 0 : i32
    %eq3A_37 = arith.cmpi eq, %arg1, %eq3A_36 : i32
    %convert_element_type3A = arith.extui %eq3A_37 : i1 to i32
    %cond3A = arith.constant 0 : i32
    %cond3A_38 = arith.cmpi ne, %convert_element_type3A, %cond3A : i32
    scf.if %cond3A_38 {
      tpu.enqueue_dma source(%arg3 : memref<2x1024xf32, #tpu.memory_space<hbm>>) target(%arg7 : memref<2x1024xf32, #tpu.memory_space<vmem_shared>>) target_semaphore(%arg9 : memref<!tpu.dma_semaphore, #tpu.memory_space<semaphore_mem>>)
      tpu.wait_dma2 semaphore(%arg9 : memref<!tpu.dma_semaphore, #tpu.memory_space<semaphore_mem>>) src(%arg3 : memref<2x1024xf32, #tpu.memory_space<hbm>>) dst(%arg7 : memref<2x1024xf32, #tpu.memory_space<vmem_shared>>)
    } else {
    }
    %dma_wait3A = tpu.memref_slice %arg2[%select_n3A, %mul3A_32] : memref<4x8192xi32, #tpu.memory_space<hbm>> -> memref<1x1024xi32, #tpu.memory_space<hbm>>
    %dma_wait3A_39 = tpu.memref_squeeze %dma_wait3A : memref<1x1024xi32, #tpu.memory_space<hbm>> -> memref<1024xi32, #tpu.memory_space<hbm>>
    %dma_wait3A_40 = tpu.memref_slice %arg2[%select_n3A, %mul3A_32] : memref<4x8192xi32, #tpu.memory_space<hbm>> -> memref<1x1024xi32, #tpu.memory_space<hbm>>
    %dma_wait3A_41 = tpu.memref_squeeze %dma_wait3A_40 : memref<1x1024xi32, #tpu.memory_space<hbm>> -> memref<1024xi32, #tpu.memory_space<hbm>>
    tpu.wait_dma2 semaphore(%arg8 : memref<!tpu.dma_semaphore, #tpu.memory_space<semaphore_mem>>) src(%dma_wait3A_41 : memref<1024xi32, #tpu.memory_space<hbm>>) dst(%arg5 : memref<1024xi32, #tpu.memory_space<vmem>>)
    tpu.wait_dma2 semaphore(%arg8 : memref<!tpu.dma_semaphore, #tpu.memory_space<semaphore_mem>>) src(%arg3 : memref<2x1024xf32, #tpu.memory_space<hbm>>) dst(%arg6 : memref<2x1024xf32, #tpu.memory_space<vmem>>)
    %barrier3A = arith.constant 0 : index
    tpu.barrier barrier_id(%barrier3A)
    %scan3A = arith.constant 0 : i32
    %scan3A_42 = arith.constant 64 : i32
    %scan3A_43 = arith.addi %scan3A, %scan3A_42 : i32
    %scan3A_44 = arith.constant 1 : i32
    scf.for %scan3A_58 = %scan3A to %scan3A_43 step %scan3A_44  : i32 {
      %mul3A_59 = arith.constant 16 : i32
      %mul3A_60 = arith.muli %scan3A_58, %mul3A_59 : i32
      %get3A = arith.index_cast %mul3A_60 : i32 to index
      %get3A_61 = tpu.vector_load %arg5[%get3A] {strides = array<i32>} : memref<1024xi32, #tpu.memory_space<vmem>>, vector<16xi32>,
      %get3A_62 = vector.shape_cast %get3A_61 : vector<16xi32> to vector<16xi32>
      %slice3A = vector.extract_strided_slice %get3A_62 {offsets = [0], sizes = [1], strides = [1]} : vector<16xi32> to vector<1xi32>
      %squeeze3A = vector.extract %slice3A[0] : i32 from vector<1xi32>
      %add3A_63 = arith.addi %mul3A_32, %mul3A_60 : i32
      %add3A_64 = arith.constant 0 : i32
      %add3A_65 = arith.addi %add3A_63, %add3A_64 : i32
      %dma_start3A_66 = arith.constant 0 : i32
      %dma_start3A_67 = tpu.memref_slice %arg6[%squeeze3A, %dma_start3A_66] : memref<2x1024xf32, #tpu.memory_space<vmem>> -> memref<1x1024xf32, #tpu.memory_space<vmem>>
      %dma_start3A_68 = tpu.memref_squeeze %dma_start3A_67 : memref<1x1024xf32, #tpu.memory_space<vmem>> -> memref<1024xf32, #tpu.memory_space<vmem>>
      %dma_start3A_69 = arith.constant 0 : i32
      %dma_start3A_70 = tpu.memref_slice %arg4[%select_n3A, %add3A_65, %dma_start3A_69] : memref<4x8192x1024xf32, #tpu.memory_space<hbm>> -> memref<1x1x1024xf32, #tpu.memory_space<hbm>>
      %dma_start3A_71 = tpu.memref_squeeze %dma_start3A_70 : memref<1x1x1024xf32, #tpu.memory_space<hbm>> -> memref<1024xf32, #tpu.memory_space<hbm>>
      %dma_start3A_72 = arith.constant 0 : i32
      %dma_start3A_73 = tpu.memref_slice %arg4[%select_n3A, %add3A_65, %dma_start3A_72] : memref<4x8192x1024xf32, #tpu.memory_space<hbm>> -> memref<1x1x1024xf32, #tpu.memory_space<hbm>>
      %dma_start3A_74 = tpu.memref_squeeze %dma_start3A_73 : memref<1x1x1024xf32, #tpu.memory_space<hbm>> -> memref<1024xf32, #tpu.memory_space<hbm>>
      %dma_start3A_75 = arith.constant 0 : i32
      %dma_start3A_76 = tpu.memref_slice %arg6[%squeeze3A, %dma_start3A_75] : memref<2x1024xf32, #tpu.memory_space<vmem>> -> memref<1x1024xf32, #tpu.memory_space<vmem>>
      %dma_start3A_77 = tpu.memref_squeeze %dma_start3A_76 : memref<1x1024xf32, #tpu.memory_space<vmem>> -> memref<1024xf32, #tpu.memory_space<vmem>>
      tpu.enqueue_dma source(%dma_start3A_77 : memref<1024xf32, #tpu.memory_space<vmem>>) target(%dma_start3A_74 : memref<1024xf32, #tpu.memory_space<hbm>>) target_semaphore(%arg8 : memref<!tpu.dma_semaphore, #tpu.memory_space<semaphore_mem>>)
      %slice3A_78 = vector.extract_strided_slice %get3A_62 {offsets = [1], sizes = [1], strides = [1]} : vector<16xi32> to vector<1xi32>
      %squeeze3A_79 = vector.extract %slice3A_78[0] : i32 from vector<1xi32>
      %add3A_80 = arith.addi %mul3A_32, %mul3A_60 : i32
      %add3A_81 = arith.constant 1 : i32
      %add3A_82 = arith.addi %add3A_80, %add3A_81 : i32
      %dma_start3A_83 = arith.constant 0 : i32
      %dma_start3A_84 = tpu.memref_slice %arg6[%squeeze3A_79, %dma_start3A_83] : memref<2x1024xf32, #tpu.memory_space<vmem>> -> memref<1x1024xf32, #tpu.memory_space<vmem>>
      %dma_start3A_85 = tpu.memref_squeeze %dma_start3A_84 : memref<1x1024xf32, #tpu.memory_space<vmem>> -> memref<1024xf32, #tpu.memory_space<vmem>>
      %dma_start3A_86 = arith.constant 0 : i32
      %dma_start3A_87 = tpu.memref_slice %arg4[%select_n3A, %add3A_82, %dma_start3A_86] : memref<4x8192x1024xf32, #tpu.memory_space<hbm>> -> memref<1x1x1024xf32, #tpu.memory_space<hbm>>
      %dma_start3A_88 = tpu.memref_squeeze %dma_start3A_87 : memref<1x1x1024xf32, #tpu.memory_space<hbm>> -> memref<1024xf32, #tpu.memory_space<hbm>>
      %dma_start3A_89 = arith.constant 0 : i32
      %dma_start3A_90 = tpu.memref_slice %arg4[%select_n3A, %add3A_82, %dma_start3A_89] : memref<4x8192x1024xf32, #tpu.memory_space<hbm>> -> memref<1x1x1024xf32, #tpu.memory_space<hbm>>
      %dma_start3A_91 = tpu.memref_squeeze %dma_start3A_90 : memref<1x1x1024xf32, #tpu.memory_space<hbm>> -> memref<1024xf32, #tpu.memory_space<hbm>>
      %dma_start3A_92 = arith.constant 0 : i32
      %dma_start3A_93 = tpu.memref_slice %arg6[%squeeze3A_79, %dma_start3A_92] : memref<2x1024xf32, #tpu.memory_space<vmem>> -> memref<1x1024xf32, #tpu.memory_space<vmem>>
      %dma_start3A_94 = tpu.memref_squeeze %dma_start3A_93 : memref<1x1024xf32, #tpu.memory_space<vmem>> -> memref<1024xf32, #tpu.memory_space<vmem>>
      tpu.enqueue_dma source(%dma_start3A_94 : memref<1024xf32, #tpu.memory_space<vmem>>) target(%dma_start3A_91 : memref<1024xf32, #tpu.memory_space<hbm>>) target_semaphore(%arg8 : memref<!tpu.dma_semaphore, #tpu.memory_space<semaphore_mem>>)
      %slice3A_95 = vector.extract_strided_slice %get3A_62 {offsets = [2], sizes = [1], strides = [1]} : vector<16xi32> to vector<1xi32>
      %squeeze3A_96 = vector.extract %slice3A_95[0] : i32 from vector<1xi32>
      %add3A_97 = arith.addi %mul3A_32, %mul3A_60 : i32
      %add3A_98 = arith.constant 2 : i32
      %add3A_99 = arith.addi %add3A_97, %add3A_98 : i32
      %dma_start3A_100 = arith.constant 0 : i32
      %dma_start3A_101 = tpu.memref_slice %arg6[%squeeze3A_96, %dma_start3A_100] : memref<2x1024xf32, #tpu.memory_space<vmem>> -> memref<1x1024xf32, #tpu.memory_space<vmem>>
      %dma_start3A_102 = tpu.memref_squeeze %dma_start3A_101 : memref<1x1024xf32, #tpu.memory_space<vmem>> -> memref<1024xf32, #tpu.memory_space<vmem>>
      %dma_start3A_103 = arith.constant 0 : i32
      %dma_start3A_104 = tpu.memref_slice %arg4[%select_n3A, %add3A_99, %dma_start3A_103] : memref<4x8192x1024xf32, #tpu.memory_space<hbm>> -> memref<1x1x1024xf32, #tpu.memory_space<hbm>>
      %dma_start3A_105 = tpu.memref_squeeze %dma_start3A_104 : memref<1x1x1024xf32, #tpu.memory_space<hbm>> -> memref<1024xf32, #tpu.memory_space<hbm>>
      %dma_start3A_106 = arith.constant 0 : i32
      %dma_start3A_107 = tpu.memref_slice %arg4[%select_n3A, %add3A_99, %dma_start3A_106] : memref<4x8192x1024xf32, #tpu.memory_space<hbm>> -> memref<1x1x1024xf32, #tpu.memory_space<hbm>>
      %dma_start3A_108 = tpu.memref_squeeze %dma_start3A_107 : memref<1x1x1024xf32, #tpu.memory_space<hbm>> -> memref<1024xf32, #tpu.memory_space<hbm>>
      %dma_start3A_109 = arith.constant 0 : i32
      %dma_start3A_110 = tpu.memref_slice %arg6[%squeeze3A_96, %dma_start3A_109] : memref<2x1024xf32, #tpu.memory_space<vmem>> -> memref<1x1024xf32, #tpu.memory_space<vmem>>
      %dma_start3A_111 = tpu.memref_squeeze %dma_start3A_110 : memref<1x1024xf32, #tpu.memory_space<vmem>> -> memref<1024xf32, #tpu.memory_space<vmem>>
      tpu.enqueue_dma source(%dma_start3A_111 : memref<1024xf32, #tpu.memory_space<vmem>>) target(%dma_start3A_108 : memref<1024xf32, #tpu.memory_space<hbm>>) target_semaphore(%arg8 : memref<!tpu.dma_semaphore, #tpu.memory_space<semaphore_mem>>)
      %slice3A_112 = vector.extract_strided_slice %get3A_62 {offsets = [3], sizes = [1], strides = [1]} : vector<16xi32> to vector<1xi32>
      %squeeze3A_113 = vector.extract %slice3A_112[0] : i32 from vector<1xi32>
      %add3A_114 = arith.addi %mul3A_32, %mul3A_60 : i32
      %add3A_115 = arith.constant 3 : i32
      %add3A_116 = arith.addi %add3A_114, %add3A_115 : i32
      %dma_start3A_117 = arith.constant 0 : i32
      %dma_start3A_118 = tpu.memref_slice %arg4[%select_n3A, %add3A_116, %dma_start3A_117] : memref<4x8192x1024xf32, #tpu.memory_space<hbm>> -> memref<1x1x1024xf32, #tpu.memory_space<hbm>>
      %dma_start3A_119 = tpu.memref_squeeze %dma_start3A_118 : memref<1x1x1024xf32, #tpu.memory_space<hbm>> -> memref<1024xf32, #tpu.memory_space<hbm>>
      %dma_start3A_120 = arith.constant 0 : i32
      %dma_start3A_121 = tpu.memref_slice %arg7[%squeeze3A_113, %dma_start3A_120] : memref<2x1024xf32, #tpu.memory_space<vmem_shared>> -> memref<1x1024xf32, #tpu.memory_space<vmem_shared>>
      %dma_start3A_122 = tpu.memref_squeeze %dma_start3A_121 : memref<1x1024xf32, #tpu.memory_space<vmem_shared>> -> memref<1024xf32, #tpu.memory_space<vmem_shared>>
      tpu.enqueue_dma source(%dma_start3A_122 : memref<1024xf32, #tpu.memory_space<vmem_shared>>) target(%dma_start3A_119 : memref<1024xf32, #tpu.memory_space<hbm>>) target_semaphore(%arg9 : memref<!tpu.dma_semaphore, #tpu.memory_space<semaphore_mem>>)
      %slice3A_123 = vector.extract_strided_slice %get3A_62 {offsets = [4], sizes = [1], strides = [1]} : vector<16xi32> to vector<1xi32>
      %squeeze3A_124 = vector.extract %slice3A_123[0] : i32 from vector<1xi32>
      %add3A_125 = arith.addi %mul3A_32, %mul3A_60 : i32
      %add3A_126 = arith.constant 4 : i32
      %add3A_127 = arith.addi %add3A_125, %add3A_126 : i32
      %dma_start3A_128 = arith.constant 0 : i32
      %dma_start3A_129 = tpu.memref_slice %arg6[%squeeze3A_124, %dma_start3A_128] : memref<2x1024xf32, #tpu.memory_space<vmem>> -> memref<1x1024xf32, #tpu.memory_space<vmem>>
      %dma_start3A_130 = tpu.memref_squeeze %dma_start3A_129 : memref<1x1024xf32, #tpu.memory_space<vmem>> -> memref<1024xf32, #tpu.memory_space<vmem>>
      %dma_start3A_131 = arith.constant 0 : i32
      %dma_start3A_132 = tpu.memref_slice %arg4[%select_n3A, %add3A_127, %dma_start3A_131] : memref<4x8192x1024xf32, #tpu.memory_space<hbm>> -> memref<1x1x1024xf32, #tpu.memory_space<hbm>>
      %dma_start3A_133 = tpu.memref_squeeze %dma_start3A_132 : memref<1x1x1024xf32, #tpu.memory_space<hbm>> -> memref<1024xf32, #tpu.memory_space<hbm>>
      %dma_start3A_134 = arith.constant 0 : i32
      %dma_start3A_135 = tpu.memref_slice %arg4[%select_n3A, %add3A_127, %dma_start3A_134] : memref<4x8192x1024xf32, #tpu.memory_space<hbm>> -> memref<1x1x1024xf32, #tpu.memory_space<hbm>>
      %dma_start3A_136 = tpu.memref_squeeze %dma_start3A_135 : memref<1x1x1024xf32, #tpu.memory_space<hbm>> -> memref<1024xf32, #tpu.memory_space<hbm>>
      %dma_start3A_137 = arith.constant 0 : i32
      %dma_start3A_138 = tpu.memref_slice %arg6[%squeeze3A_124, %dma_start3A_137] : memref<2x1024xf32, #tpu.memory_space<vmem>> -> memref<1x1024xf32, #tpu.memory_space<vmem>>
      %dma_start3A_139 = tpu.memref_squeeze %dma_start3A_138 : memref<1x1024xf32, #tpu.memory_space<vmem>> -> memref<1024xf32, #tpu.memory_space<vmem>>
      tpu.enqueue_dma source(%dma_start3A_139 : memref<1024xf32, #tpu.memory_space<vmem>>) target(%dma_start3A_136 : memref<1024xf32, #tpu.memory_space<hbm>>) target_semaphore(%arg8 : memref<!tpu.dma_semaphore, #tpu.memory_space<semaphore_mem>>)
      %slice3A_140 = vector.extract_strided_slice %get3A_62 {offsets = [5], sizes = [1], strides = [1]} : vector<16xi32> to vector<1xi32>
      %squeeze3A_141 = vector.extract %slice3A_140[0] : i32 from vector<1xi32>
      %add3A_142 = arith.addi %mul3A_32, %mul3A_60 : i32
      %add3A_143 = arith.constant 5 : i32
      %add3A_144 = arith.addi %add3A_142, %add3A_143 : i32
      %dma_start3A_145 = arith.constant 0 : i32
      %dma_start3A_146 = tpu.memref_slice %arg6[%squeeze3A_141, %dma_start3A_145] : memref<2x1024xf32, #tpu.memory_space<vmem>> -> memref<1x1024xf32, #tpu.memory_space<vmem>>
      %dma_start3A_147 = tpu.memref_squeeze %dma_start3A_146 : memref<1x1024xf32, #tpu.memory_space<vmem>> -> memref<1024xf32, #tpu.memory_space<vmem>>
      %dma_start3A_148 = arith.constant 0 : i32
      %dma_start3A_149 = tpu.memref_slice %arg4[%select_n3A, %add3A_144, %dma_start3A_148] : memref<4x8192x1024xf32, #tpu.memory_space<hbm>> -> memref<1x1x1024xf32, #tpu.memory_space<hbm>>
      %dma_start3A_150 = tpu.memref_squeeze %dma_start3A_149 : memref<1x1x1024xf32, #tpu.memory_space<hbm>> -> memref<1024xf32, #tpu.memory_space<hbm>>
      %dma_start3A_151 = arith.constant 0 : i32
      %dma_start3A_152 = tpu.memref_slice %arg4[%select_n3A, %add3A_144, %dma_start3A_151] : memref<4x8192x1024xf32, #tpu.memory_space<hbm>> -> memref<1x1x1024xf32, #tpu.memory_space<hbm>>
      %dma_start3A_153 = tpu.memref_squeeze %dma_start3A_152 : memref<1x1x1024xf32, #tpu.memory_space<hbm>> -> memref<1024xf32, #tpu.memory_space<hbm>>
      %dma_start3A_154 = arith.constant 0 : i32
      %dma_start3A_155 = tpu.memref_slice %arg6[%squeeze3A_141, %dma_start3A_154] : memref<2x1024xf32, #tpu.memory_space<vmem>> -> memref<1x1024xf32, #tpu.memory_space<vmem>>
      %dma_start3A_156 = tpu.memref_squeeze %dma_start3A_155 : memref<1x1024xf32, #tpu.memory_space<vmem>> -> memref<1024xf32, #tpu.memory_space<vmem>>
      tpu.enqueue_dma source(%dma_start3A_156 : memref<1024xf32, #tpu.memory_space<vmem>>) target(%dma_start3A_153 : memref<1024xf32, #tpu.memory_space<hbm>>) target_semaphore(%arg8 : memref<!tpu.dma_semaphore, #tpu.memory_space<semaphore_mem>>)
      %slice3A_157 = vector.extract_strided_slice %get3A_62 {offsets = [6], sizes = [1], strides = [1]} : vector<16xi32> to vector<1xi32>
      %squeeze3A_158 = vector.extract %slice3A_157[0] : i32 from vector<1xi32>
      %add3A_159 = arith.addi %mul3A_32, %mul3A_60 : i32
      %add3A_160 = arith.constant 6 : i32
      %add3A_161 = arith.addi %add3A_159, %add3A_160 : i32
      %dma_start3A_162 = arith.constant 0 : i32
      %dma_start3A_163 = tpu.memref_slice %arg6[%squeeze3A_158, %dma_start3A_162] : memref<2x1024xf32, #tpu.memory_space<vmem>> -> memref<1x1024xf32, #tpu.memory_space<vmem>>
      %dma_start3A_164 = tpu.memref_squeeze %dma_start3A_163 : memref<1x1024xf32, #tpu.memory_space<vmem>> -> memref<1024xf32, #tpu.memory_space<vmem>>
      %dma_start3A_165 = arith.constant 0 : i32
      %dma_start3A_166 = tpu.memref_slice %arg4[%select_n3A, %add3A_161, %dma_start3A_165] : memref<4x8192x1024xf32, #tpu.memory_space<hbm>> -> memref<1x1x1024xf32, #tpu.memory_space<hbm>>
      %dma_start3A_167 = tpu.memref_squeeze %dma_start3A_166 : memref<1x1x1024xf32, #tpu.memory_space<hbm>> -> memref<1024xf32, #tpu.memory_space<hbm>>
      %dma_start3A_168 = arith.constant 0 : i32
      %dma_start3A_169 = tpu.memref_slice %arg4[%select_n3A, %add3A_161, %dma_start3A_168] : memref<4x8192x1024xf32, #tpu.memory_space<hbm>> -> memref<1x1x1024xf32, #tpu.memory_space<hbm>>
      %dma_start3A_170 = tpu.memref_squeeze %dma_start3A_169 : memref<1x1x1024xf32, #tpu.memory_space<hbm>> -> memref<1024xf32, #tpu.memory_space<hbm>>
      %dma_start3A_171 = arith.constant 0 : i32
      %dma_start3A_172 = tpu.memref_slice %arg6[%squeeze3A_158, %dma_start3A_171] : memref<2x1024xf32, #tpu.memory_space<vmem>> -> memref<1x1024xf32, #tpu.memory_space<vmem>>
      %dma_start3A_173 = tpu.memref_squeeze %dma_start3A_172 : memref<1x1024xf32, #tpu.memory_space<vmem>> -> memref<1024xf32, #tpu.memory_space<vmem>>
      tpu.enqueue_dma source(%dma_start3A_173 : memref<1024xf32, #tpu.memory_space<vmem>>) target(%dma_start3A_170 : memref<1024xf32, #tpu.memory_space<hbm>>) target_semaphore(%arg8 : memref<!tpu.dma_semaphore, #tpu.memory_space<semaphore_mem>>)
      %slice3A_174 = vector.extract_strided_slice %get3A_62 {offsets = [7], sizes = [1], strides = [1]} : vector<16xi32> to vector<1xi32>
      %squeeze3A_175 = vector.extract %slice3A_174[0] : i32 from vector<1xi32>
      %add3A_176 = arith.addi %mul3A_32, %mul3A_60 : i32
      %add3A_177 = arith.constant 7 : i32
      %add3A_178 = arith.addi %add3A_176, %add3A_177 : i32
      %dma_start3A_179 = arith.constant 0 : i32
      %dma_start3A_180 = tpu.memref_slice %arg4[%select_n3A, %add3A_178, %dma_start3A_179] : memref<4x8192x1024xf32, #tpu.memory_space<hbm>> -> memref<1x1x1024xf32, #tpu.memory_space<hbm>>
      %dma_start3A_181 = tpu.memref_squeeze %dma_start3A_180 : memref<1x1x1024xf32, #tpu.memory_space<hbm>> -> memref<1024xf32, #tpu.memory_space<hbm>>
      %dma_start3A_182 = arith.constant 0 : i32
      %dma_start3A_183 = tpu.memref_slice %arg7[%squeeze3A_175, %dma_start3A_182] : memref<2x1024xf32, #tpu.memory_space<vmem_shared>> -> memref<1x1024xf32, #tpu.memory_space<vmem_shared>>
      %dma_start3A_184 = tpu.memref_squeeze %dma_start3A_183 : memref<1x1024xf32, #tpu.memory_space<vmem_shared>> -> memref<1024xf32, #tpu.memory_space<vmem_shared>>
      tpu.enqueue_dma source(%dma_start3A_184 : memref<1024xf32, #tpu.memory_space<vmem_shared>>) target(%dma_start3A_181 : memref<1024xf32, #tpu.memory_space<hbm>>) target_semaphore(%arg9 : memref<!tpu.dma_semaphore, #tpu.memory_space<semaphore_mem>>)
      %slice3A_185 = vector.extract_strided_slice %get3A_62 {offsets = [8], sizes = [1], strides = [1]} : vector<16xi32> to vector<1xi32>
      %squeeze3A_186 = vector.extract %slice3A_185[0] : i32 from vector<1xi32>
      %add3A_187 = arith.addi %mul3A_32, %mul3A_60 : i32
      %add3A_188 = arith.constant 8 : i32
      %add3A_189 = arith.addi %add3A_187, %add3A_188 : i32
      %dma_start3A_190 = arith.constant 0 : i32
      %dma_start3A_191 = tpu.memref_slice %arg6[%squeeze3A_186, %dma_start3A_190] : memref<2x1024xf32, #tpu.memory_space<vmem>> -> memref<1x1024xf32, #tpu.memory_space<vmem>>
      %dma_start3A_192 = tpu.memref_squeeze %dma_start3A_191 : memref<1x1024xf32, #tpu.memory_space<vmem>> -> memref<1024xf32, #tpu.memory_space<vmem>>
      %dma_start3A_193 = arith.constant 0 : i32
      %dma_start3A_194 = tpu.memref_slice %arg4[%select_n3A, %add3A_189, %dma_start3A_193] : memref<4x8192x1024xf32, #tpu.memory_space<hbm>> -> memref<1x1x1024xf32, #tpu.memory_space<hbm>>
      %dma_start3A_195 = tpu.memref_squeeze %dma_start3A_194 : memref<1x1x1024xf32, #tpu.memory_space<hbm>> -> memref<1024xf32, #tpu.memory_space<hbm>>
      %dma_start3A_196 = arith.constant 0 : i32
      %dma_start3A_197 = tpu.memref_slice %arg4[%select_n3A, %add3A_189, %dma_start3A_196] : memref<4x8192x1024xf32, #tpu.memory_space<hbm>> -> memref<1x1x1024xf32, #tpu.memory_space<hbm>>
      %dma_start3A_198 = tpu.memref_squeeze %dma_start3A_197 : memref<1x1x1024xf32, #tpu.memory_space<hbm>> -> memref<1024xf32, #tpu.memory_space<hbm>>
      %dma_start3A_199 = arith.constant 0 : i32
      %dma_start3A_200 = tpu.memref_slice %arg6[%squeeze3A_186, %dma_start3A_199] : memref<2x1024xf32, #tpu.memory_space<vmem>> -> memref<1x1024xf32, #tpu.memory_space<vmem>>
      %dma_start3A_201 = tpu.memref_squeeze %dma_start3A_200 : memref<1x1024xf32, #tpu.memory_space<vmem>> -> memref<1024xf32, #tpu.memory_space<vmem>>
      tpu.enqueue_dma source(%dma_start3A_201 : memref<1024xf32, #tpu.memory_space<vmem>>) target(%dma_start3A_198 : memref<1024xf32, #tpu.memory_space<hbm>>) target_semaphore(%arg8 : memref<!tpu.dma_semaphore, #tpu.memory_space<semaphore_mem>>)
      %slice3A_202 = vector.extract_strided_slice %get3A_62 {offsets = [9], sizes = [1], strides = [1]} : vector<16xi32> to vector<1xi32>
      %squeeze3A_203 = vector.extract %slice3A_202[0] : i32 from vector<1xi32>
      %add3A_204 = arith.addi %mul3A_32, %mul3A_60 : i32
      %add3A_205 = arith.constant 9 : i32
      %add3A_206 = arith.addi %add3A_204, %add3A_205 : i32
      %dma_start3A_207 = arith.constant 0 : i32
      %dma_start3A_208 = tpu.memref_slice %arg6[%squeeze3A_203, %dma_start3A_207] : memref<2x1024xf32, #tpu.memory_space<vmem>> -> memref<1x1024xf32, #tpu.memory_space<vmem>>
      %dma_start3A_209 = tpu.memref_squeeze %dma_start3A_208 : memref<1x1024xf32, #tpu.memory_space<vmem>> -> memref<1024xf32, #tpu.memory_space<vmem>>
      %dma_start3A_210 = arith.constant 0 : i32
      %dma_start3A_211 = tpu.memref_slice %arg4[%select_n3A, %add3A_206, %dma_start3A_210] : memref<4x8192x1024xf32, #tpu.memory_space<hbm>> -> memref<1x1x1024xf32, #tpu.memory_space<hbm>>
      %dma_start3A_212 = tpu.memref_squeeze %dma_start3A_211 : memref<1x1x1024xf32, #tpu.memory_space<hbm>> -> memref<1024xf32, #tpu.memory_space<hbm>>
      %dma_start3A_213 = arith.constant 0 : i32
      %dma_start3A_214 = tpu.memref_slice %arg4[%select_n3A, %add3A_206, %dma_start3A_213] : memref<4x8192x1024xf32, #tpu.memory_space<hbm>> -> memref<1x1x1024xf32, #tpu.memory_space<hbm>>
      %dma_start3A_215 = tpu.memref_squeeze %dma_start3A_214 : memref<1x1x1024xf32, #tpu.memory_space<hbm>> -> memref<1024xf32, #tpu.memory_space<hbm>>
      %dma_start3A_216 = arith.constant 0 : i32
      %dma_start3A_217 = tpu.memref_slice %arg6[%squeeze3A_203, %dma_start3A_216] : memref<2x1024xf32, #tpu.memory_space<vmem>> -> memref<1x1024xf32, #tpu.memory_space<vmem>>
      %dma_start3A_218 = tpu.memref_squeeze %dma_start3A_217 : memref<1x1024xf32, #tpu.memory_space<vmem>> -> memref<1024xf32, #tpu.memory_space<vmem>>
      tpu.enqueue_dma source(%dma_start3A_218 : memref<1024xf32, #tpu.memory_space<vmem>>) target(%dma_start3A_215 : memref<1024xf32, #tpu.memory_space<hbm>>) target_semaphore(%arg8 : memref<!tpu.dma_semaphore, #tpu.memory_space<semaphore_mem>>)
      %slice3A_219 = vector.extract_strided_slice %get3A_62 {offsets = [10], sizes = [1], strides = [1]} : vector<16xi32> to vector<1xi32>
      %squeeze3A_220 = vector.extract %slice3A_219[0] : i32 from vector<1xi32>
      %add3A_221 = arith.addi %mul3A_32, %mul3A_60 : i32
      %add3A_222 = arith.constant 10 : i32
      %add3A_223 = arith.addi %add3A_221, %add3A_222 : i32
      %dma_start3A_224 = arith.constant 0 : i32
      %dma_start3A_225 = tpu.memref_slice %arg6[%squeeze3A_220, %dma_start3A_224] : memref<2x1024xf32, #tpu.memory_space<vmem>> -> memref<1x1024xf32, #tpu.memory_space<vmem>>
      %dma_start3A_226 = tpu.memref_squeeze %dma_start3A_225 : memref<1x1024xf32, #tpu.memory_space<vmem>> -> memref<1024xf32, #tpu.memory_space<vmem>>
      %dma_start3A_227 = arith.constant 0 : i32
      %dma_start3A_228 = tpu.memref_slice %arg4[%select_n3A, %add3A_223, %dma_start3A_227] : memref<4x8192x1024xf32, #tpu.memory_space<hbm>> -> memref<1x1x1024xf32, #tpu.memory_space<hbm>>
      %dma_start3A_229 = tpu.memref_squeeze %dma_start3A_228 : memref<1x1x1024xf32, #tpu.memory_space<hbm>> -> memref<1024xf32, #tpu.memory_space<hbm>>
      %dma_start3A_230 = arith.constant 0 : i32
      %dma_start3A_231 = tpu.memref_slice %arg4[%select_n3A, %add3A_223, %dma_start3A_230] : memref<4x8192x1024xf32, #tpu.memory_space<hbm>> -> memref<1x1x1024xf32, #tpu.memory_space<hbm>>
      %dma_start3A_232 = tpu.memref_squeeze %dma_start3A_231 : memref<1x1x1024xf32, #tpu.memory_space<hbm>> -> memref<1024xf32, #tpu.memory_space<hbm>>
      %dma_start3A_233 = arith.constant 0 : i32
      %dma_start3A_234 = tpu.memref_slice %arg6[%squeeze3A_220, %dma_start3A_233] : memref<2x1024xf32, #tpu.memory_space<vmem>> -> memref<1x1024xf32, #tpu.memory_space<vmem>>
      %dma_start3A_235 = tpu.memref_squeeze %dma_start3A_234 : memref<1x1024xf32, #tpu.memory_space<vmem>> -> memref<1024xf32, #tpu.memory_space<vmem>>
      tpu.enqueue_dma source(%dma_start3A_235 : memref<1024xf32, #tpu.memory_space<vmem>>) target(%dma_start3A_232 : memref<1024xf32, #tpu.memory_space<hbm>>) target_semaphore(%arg8 : memref<!tpu.dma_semaphore, #tpu.memory_space<semaphore_mem>>)
      %slice3A_236 = vector.extract_strided_slice %get3A_62 {offsets = [11], sizes = [1], strides = [1]} : vector<16xi32> to vector<1xi32>
      %squeeze3A_237 = vector.extract %slice3A_236[0] : i32 from vector<1xi32>
      %add3A_238 = arith.addi %mul3A_32, %mul3A_60 : i32
      %add3A_239 = arith.constant 11 : i32
      %add3A_240 = arith.addi %add3A_238, %add3A_239 : i32
      %dma_start3A_241 = arith.constant 0 : i32
      %dma_start3A_242 = tpu.memref_slice %arg4[%select_n3A, %add3A_240, %dma_start3A_241] : memref<4x8192x1024xf32, #tpu.memory_space<hbm>> -> memref<1x1x1024xf32, #tpu.memory_space<hbm>>
      %dma_start3A_243 = tpu.memref_squeeze %dma_start3A_242 : memref<1x1x1024xf32, #tpu.memory_space<hbm>> -> memref<1024xf32, #tpu.memory_space<hbm>>
      %dma_start3A_244 = arith.constant 0 : i32
      %dma_start3A_245 = tpu.memref_slice %arg7[%squeeze3A_237, %dma_start3A_244] : memref<2x1024xf32, #tpu.memory_space<vmem_shared>> -> memref<1x1024xf32, #tpu.memory_space<vmem_shared>>
      %dma_start3A_246 = tpu.memref_squeeze %dma_start3A_245 : memref<1x1024xf32, #tpu.memory_space<vmem_shared>> -> memref<1024xf32, #tpu.memory_space<vmem_shared>>
      tpu.enqueue_dma source(%dma_start3A_246 : memref<1024xf32, #tpu.memory_space<vmem_shared>>) target(%dma_start3A_243 : memref<1024xf32, #tpu.memory_space<hbm>>) target_semaphore(%arg9 : memref<!tpu.dma_semaphore, #tpu.memory_space<semaphore_mem>>)
      %slice3A_247 = vector.extract_strided_slice %get3A_62 {offsets = [12], sizes = [1], strides = [1]} : vector<16xi32> to vector<1xi32>
      %squeeze3A_248 = vector.extract %slice3A_247[0] : i32 from vector<1xi32>
      %add3A_249 = arith.addi %mul3A_32, %mul3A_60 : i32
      %add3A_250 = arith.constant 12 : i32
      %add3A_251 = arith.addi %add3A_249, %add3A_250 : i32
      %dma_start3A_252 = arith.constant 0 : i32
      %dma_start3A_253 = tpu.memref_slice %arg6[%squeeze3A_248, %dma_start3A_252] : memref<2x1024xf32, #tpu.memory_space<vmem>> -> memref<1x1024xf32, #tpu.memory_space<vmem>>
      %dma_start3A_254 = tpu.memref_squeeze %dma_start3A_253 : memref<1x1024xf32, #tpu.memory_space<vmem>> -> memref<1024xf32, #tpu.memory_space<vmem>>
      %dma_start3A_255 = arith.constant 0 : i32
      %dma_start3A_256 = tpu.memref_slice %arg4[%select_n3A, %add3A_251, %dma_start3A_255] : memref<4x8192x1024xf32, #tpu.memory_space<hbm>> -> memref<1x1x1024xf32, #tpu.memory_space<hbm>>
      %dma_start3A_257 = tpu.memref_squeeze %dma_start3A_256 : memref<1x1x1024xf32, #tpu.memory_space<hbm>> -> memref<1024xf32, #tpu.memory_space<hbm>>
      %dma_start3A_258 = arith.constant 0 : i32
      %dma_start3A_259 = tpu.memref_slice %arg4[%select_n3A, %add3A_251, %dma_start3A_258] : memref<4x8192x1024xf32, #tpu.memory_space<hbm>> -> memref<1x1x1024xf32, #tpu.memory_space<hbm>>
      %dma_start3A_260 = tpu.memref_squeeze %dma_start3A_259 : memref<1x1x1024xf32, #tpu.memory_space<hbm>> -> memref<1024xf32, #tpu.memory_space<hbm>>
      %dma_start3A_261 = arith.constant 0 : i32
      %dma_start3A_262 = tpu.memref_slice %arg6[%squeeze3A_248, %dma_start3A_261] : memref<2x1024xf32, #tpu.memory_space<vmem>> -> memref<1x1024xf32, #tpu.memory_space<vmem>>
      %dma_start3A_263 = tpu.memref_squeeze %dma_start3A_262 : memref<1x1024xf32, #tpu.memory_space<vmem>> -> memref<1024xf32, #tpu.memory_space<vmem>>
      tpu.enqueue_dma source(%dma_start3A_263 : memref<1024xf32, #tpu.memory_space<vmem>>) target(%dma_start3A_260 : memref<1024xf32, #tpu.memory_space<hbm>>) target_semaphore(%arg8 : memref<!tpu.dma_semaphore, #tpu.memory_space<semaphore_mem>>)
      %slice3A_264 = vector.extract_strided_slice %get3A_62 {offsets = [13], sizes = [1], strides = [1]} : vector<16xi32> to vector<1xi32>
      %squeeze3A_265 = vector.extract %slice3A_264[0] : i32 from vector<1xi32>
      %add3A_266 = arith.addi %mul3A_32, %mul3A_60 : i32
      %add3A_267 = arith.constant 13 : i32
      %add3A_268 = arith.addi %add3A_266, %add3A_267 : i32
      %dma_start3A_269 = arith.constant 0 : i32
      %dma_start3A_270 = tpu.memref_slice %arg6[%squeeze3A_265, %dma_start3A_269] : memref<2x1024xf32, #tpu.memory_space<vmem>> -> memref<1x1024xf32, #tpu.memory_space<vmem>>
      %dma_start3A_271 = tpu.memref_squeeze %dma_start3A_270 : memref<1x1024xf32, #tpu.memory_space<vmem>> -> memref<1024xf32, #tpu.memory_space<vmem>>
      %dma_start3A_272 = arith.constant 0 : i32
      %dma_start3A_273 = tpu.memref_slice %arg4[%select_n3A, %add3A_268, %dma_start3A_272] : memref<4x8192x1024xf32, #tpu.memory_space<hbm>> -> memref<1x1x1024xf32, #tpu.memory_space<hbm>>
      %dma_start3A_274 = tpu.memref_squeeze %dma_start3A_273 : memref<1x1x1024xf32, #tpu.memory_space<hbm>> -> memref<1024xf32, #tpu.memory_space<hbm>>
      %dma_start3A_275 = arith.constant 0 : i32
      %dma_start3A_276 = tpu.memref_slice %arg4[%select_n3A, %add3A_268, %dma_start3A_275] : memref<4x8192x1024xf32, #tpu.memory_space<hbm>> -> memref<1x1x1024xf32, #tpu.memory_space<hbm>>
      %dma_start3A_277 = tpu.memref_squeeze %dma_start3A_276 : memref<1x1x1024xf32, #tpu.memory_space<hbm>> -> memref<1024xf32, #tpu.memory_space<hbm>>
      %dma_start3A_278 = arith.constant 0 : i32
      %dma_start3A_279 = tpu.memref_slice %arg6[%squeeze3A_265, %dma_start3A_278] : memref<2x1024xf32, #tpu.memory_space<vmem>> -> memref<1x1024xf32, #tpu.memory_space<vmem>>
      %dma_start3A_280 = tpu.memref_squeeze %dma_start3A_279 : memref<1x1024xf32, #tpu.memory_space<vmem>> -> memref<1024xf32, #tpu.memory_space<vmem>>
      tpu.enqueue_dma source(%dma_start3A_280 : memref<1024xf32, #tpu.memory_space<vmem>>) target(%dma_start3A_277 : memref<1024xf32, #tpu.memory_space<hbm>>) target_semaphore(%arg8 : memref<!tpu.dma_semaphore, #tpu.memory_space<semaphore_mem>>)
      %slice3A_281 = vector.extract_strided_slice %get3A_62 {offsets = [14], sizes = [1], strides = [1]} : vector<16xi32> to vector<1xi32>
      %squeeze3A_282 = vector.extract %slice3A_281[0] : i32 from vector<1xi32>
      %add3A_283 = arith.addi %mul3A_32, %mul3A_60 : i32
      %add3A_284 = arith.constant 14 : i32
      %add3A_285 = arith.addi %add3A_283, %add3A_284 : i32
      %dma_start3A_286 = arith.constant 0 : i32
      %dma_start3A_287 = tpu.memref_slice %arg6[%squeeze3A_282, %dma_start3A_286] : memref<2x1024xf32, #tpu.memory_space<vmem>> -> memref<1x1024xf32, #tpu.memory_space<vmem>>
      %dma_start3A_288 = tpu.memref_squeeze %dma_start3A_287 : memref<1x1024xf32, #tpu.memory_space<vmem>> -> memref<1024xf32, #tpu.memory_space<vmem>>
      %dma_start3A_289 = arith.constant 0 : i32
      %dma_start3A_290 = tpu.memref_slice %arg4[%select_n3A, %add3A_285, %dma_start3A_289] : memref<4x8192x1024xf32, #tpu.memory_space<hbm>> -> memref<1x1x1024xf32, #tpu.memory_space<hbm>>
      %dma_start3A_291 = tpu.memref_squeeze %dma_start3A_290 : memref<1x1x1024xf32, #tpu.memory_space<hbm>> -> memref<1024xf32, #tpu.memory_space<hbm>>
      %dma_start3A_292 = arith.constant 0 : i32
      %dma_start3A_293 = tpu.memref_slice %arg4[%select_n3A, %add3A_285, %dma_start3A_292] : memref<4x8192x1024xf32, #tpu.memory_space<hbm>> -> memref<1x1x1024xf32, #tpu.memory_space<hbm>>
      %dma_start3A_294 = tpu.memref_squeeze %dma_start3A_293 : memref<1x1x1024xf32, #tpu.memory_space<hbm>> -> memref<1024xf32, #tpu.memory_space<hbm>>
      %dma_start3A_295 = arith.constant 0 : i32
      %dma_start3A_296 = tpu.memref_slice %arg6[%squeeze3A_282, %dma_start3A_295] : memref<2x1024xf32, #tpu.memory_space<vmem>> -> memref<1x1024xf32, #tpu.memory_space<vmem>>
      %dma_start3A_297 = tpu.memref_squeeze %dma_start3A_296 : memref<1x1024xf32, #tpu.memory_space<vmem>> -> memref<1024xf32, #tpu.memory_space<vmem>>
      tpu.enqueue_dma source(%dma_start3A_297 : memref<1024xf32, #tpu.memory_space<vmem>>) target(%dma_start3A_294 : memref<1024xf32, #tpu.memory_space<hbm>>) target_semaphore(%arg8 : memref<!tpu.dma_semaphore, #tpu.memory_space<semaphore_mem>>)
      %slice3A_298 = vector.extract_strided_slice %get3A_62 {offsets = [15], sizes = [1], strides = [1]} : vector<16xi32> to vector<1xi32>
      %squeeze3A_299 = vector.extract %slice3A_298[0] : i32 from vector<1xi32>
      %add3A_300 = arith.addi %mul3A_32, %mul3A_60 : i32
      %add3A_301 = arith.constant 15 : i32
      %add3A_302 = arith.addi %add3A_300, %add3A_301 : i32
      %dma_start3A_303 = arith.constant 0 : i32
      %dma_start3A_304 = tpu.memref_slice %arg4[%select_n3A, %add3A_302, %dma_start3A_303] : memref<4x8192x1024xf32, #tpu.memory_space<hbm>> -> memref<1x1x1024xf32, #tpu.memory_space<hbm>>
      %dma_start3A_305 = tpu.memref_squeeze %dma_start3A_304 : memref<1x1x1024xf32, #tpu.memory_space<hbm>> -> memref<1024xf32, #tpu.memory_space<hbm>>
      %dma_start3A_306 = arith.constant 0 : i32
      %dma_start3A_307 = tpu.memref_slice %arg7[%squeeze3A_299, %dma_start3A_306] : memref<2x1024xf32, #tpu.memory_space<vmem_shared>> -> memref<1x1024xf32, #tpu.memory_space<vmem_shared>>
      %dma_start3A_308 = tpu.memref_squeeze %dma_start3A_307 : memref<1x1024xf32, #tpu.memory_space<vmem_shared>> -> memref<1024xf32, #tpu.memory_space<vmem_shared>>
      tpu.enqueue_dma source(%dma_start3A_308 : memref<1024xf32, #tpu.memory_space<vmem_shared>>) target(%dma_start3A_305 : memref<1024xf32, #tpu.memory_space<hbm>>) target_semaphore(%arg9 : memref<!tpu.dma_semaphore, #tpu.memory_space<semaphore_mem>>)
    }
    %scan3A_45 = arith.constant 64 : i32
    %dma_wait3A_46 = arith.constant 0 : i32
    %dma_wait3A_47 = tpu.memref_slice %arg4[%select_n3A, %mul3A_32, %dma_wait3A_46] : memref<4x8192x1024xf32, #tpu.memory_space<hbm>> -> memref<1x768x1024xf32, #tpu.memory_space<hbm>>
    %dma_wait3A_48 = tpu.memref_squeeze %dma_wait3A_47 : memref<1x768x1024xf32, #tpu.memory_space<hbm>> -> memref<768x1024xf32, #tpu.memory_space<hbm>>
    %dma_wait3A_49 = arith.constant 0 : i32
    %dma_wait3A_50 = tpu.memref_slice %arg4[%select_n3A, %mul3A_32, %dma_wait3A_49] : memref<4x8192x1024xf32, #tpu.memory_space<hbm>> -> memref<1x768x1024xf32, #tpu.memory_space<hbm>>
    %dma_wait3A_51 = tpu.memref_squeeze %dma_wait3A_50 : memref<1x768x1024xf32, #tpu.memory_space<hbm>> -> memref<768x1024xf32, #tpu.memory_space<hbm>>
    tpu.wait_dma2 semaphore(%arg8 : memref<!tpu.dma_semaphore, #tpu.memory_space<semaphore_mem>>) src(%dma_wait3A_51 : memref<768x1024xf32, #tpu.memory_space<hbm>>) dst(%dma_wait3A_48 : memref<768x1024xf32, #tpu.memory_space<hbm>>)
    %dma_wait3A_52 = arith.constant 0 : i32
    %dma_wait3A_53 = tpu.memref_slice %arg4[%select_n3A, %mul3A_32, %dma_wait3A_52] : memref<4x8192x1024xf32, #tpu.memory_space<hbm>> -> memref<1x256x1024xf32, #tpu.memory_space<hbm>>
    %dma_wait3A_54 = tpu.memref_squeeze %dma_wait3A_53 : memref<1x256x1024xf32, #tpu.memory_space<hbm>> -> memref<256x1024xf32, #tpu.memory_space<hbm>>
    %dma_wait3A_55 = arith.constant 0 : i32
    %dma_wait3A_56 = tpu.memref_slice %arg4[%select_n3A, %mul3A_32, %dma_wait3A_55] : memref<4x8192x1024xf32, #tpu.memory_space<hbm>> -> memref<1x256x1024xf32, #tpu.memory_space<hbm>>
    %dma_wait3A_57 = tpu.memref_squeeze %dma_wait3A_56 : memref<1x256x1024xf32, #tpu.memory_space<hbm>> -> memref<256x1024xf32, #tpu.memory_space<hbm>>
    tpu.wait_dma2 semaphore(%arg9 : memref<!tpu.dma_semaphore, #tpu.memory_space<semaphore_mem>>) src(%dma_wait3A_57 : memref<256x1024xf32, #tpu.memory_space<hbm>>) dst(%dma_wait3A_54 : memref<256x1024xf32, #tpu.memory_space<hbm>>)
    return
  }
}

</mosaic_0001>

<sc_bundles>
// kernel: kernel.3.cloned.1.call-start
scs
__scs_entry_jumppad:
0x0: {  	(pc) =	sbr.rel $0x88, $3  }
0x1: {  	(tag) =	ssettag $0x0;
	lr =	simm.s32 $0x1  }
0x2: {  	[smem:$0x3F9F] =	sst lr;
	_ =	strace $0xD0000000  }
0x3: {  	_ = 	snop  }
0x4: {  	_ = 	snop  }
0x5: {  	_ = 	snop  }
0x6: {  	_ = 	snop  }
0x7: {  	_ = 	snop  }
__scs_overlays_trampoline_lowered:
0x8: {  	[smem:$0x3FAE] =	sst s0  }
0x9: {  	[smem:$0x3FAF] =	sst s1  }
0xa: {  	[smem:$0x3FB0] =	sst s2  }
0xb: {  	[smem:$0x3FB1] =	sst s3  }
0xc: {  	[smem:$0x3FB2] =	sst s4  }
0xd: {  	[smem:$0x3FB3] =	sst s5  }
0xe: {  	[smem:$0x3FB4] =	sst s6  }
0xf: {  	[smem:$0x3FB5] =	sst s7  }
0x10: {  	[smem:$0x3FB6] =	sst s8  }
0x11: {  	[smem:$0x3FB7] =	sst s9;
	s0 =	simm.s32 @!p0 $0x0  }
0x12: {  	s1 =	sld [smem:$0x3F9D];
	s0 =	simm.s32 @p0 $0x1  }
0x13: {  	[smem:$0x3FB8] =	sst s0;
	s0 =	simm.s32 @!p1 $0x0  }
0x14: {  	s2 =	sld [smem:$0x3F9C];
	s0 =	simm.s32 @p1 $0x1  }
0x15: {  	[smem:$0x3FB9] =	sst s0;
	s0 =	simm.s32 @!p2 $0x0  }
0x16: {  	s3 =	sld [smem:$0x3FDB];
	s0 =	simm.s32 @p2 $0x1  }
0x17: {  	s4 =	simm.s32 $0x1BF5;
	[smem:$0x3FBB] =	sst s0  }
0x18: {  	s0 =	sld [smem:$0x3F9E];
	_ =	swait.ge [sflag:s4], $0x0  }
0x19: {  	s7 =	sld [smem:$0x3F9F]  }
0x1a: {  	s8 =	sadd.s32 $0xFFFFE003, lr  }
0x1b: {  	s9 =	sadd.s32 $0xFFFFFEF7, lr;
	s5 =	simm.s32 $0xFFFFFFFF;
	p2 =	slt.u32 s8, $0xFFFFF086  }
0x1c: {  	p1 =	slt.u32 s9, $0xF7A;
	s5 =	simm.s32 @!p2 $0x0  }
0x1d: {  	s5 =	simm.s32 @p1 $0x1;
	p0 =	seq.s32 s7, s2  }
0x1e: {  	s7 =	smul.u32 @!p0 $0xF7A, s2;
	p2 =	seq.s32 @!p0 s5, $0x0  }
0x1f: {  	s9 =	smul.u32 $0xF7A, s1;
	s8 =	simm.s32 @!p0 $0x1BF5;
	p2 =	por !p2, p0  }
0x20: {  	[sflag:s8] =	ssyncset.s32 @!p0 $0xFFFFF086;
	s6 =	sadd.s32 @!p0 s3, s7;
	s7 =	simm.s32 @!p0 $0x108  }
0x21: {  	s3 =	sadd.s32 s3, s9;
	s6 =	sadd.s32 @!p0 $0x88, s6;
	s7 =	simm.s32 @p2 $0x1082  }
0x22: {  	[simem:s7], [sflag:s8] =	dma.local @!p0 [hbm:s6], $0xF7A  }
0x23: {  	s9 =	sor.u32 $0xD0000000, s2;
	s6 =	simm.s32 $0x108;
	_ =	swait.ge @!p0 [sflag:s8], $0x0  }
0x24: {  	s3 =	sadd.s32 $0x88, s3;
	s6 =	simm.s32 @!p1 $0x1082;
	[sflag:s4] =	ssyncset.s32 $0xFFFFF086  }
0x25: {  	[simem:s6], [sflag:s4] =	dma.local [hbm:s3], $0xF7A  }
0x26: {  	[smem:$0x3F9F] =	sst s1;
	(tag) =	ssettag s2;
	_ =	strace s9  }
0x27: {  	s1 =	sld [smem:$0x3FAF]  }
0x28: {  	s2 =	sld [smem:$0x3FB0]  }
0x29: {  	s4 =	sld [smem:$0x3FB2]  }
0x2a: {  	p0 =	seq.s32 s5, $0x0;
	s5 =	sld [smem:$0x3FB3]  }
0x2b: {  	s6 =	sld [smem:$0x3FB4]  }
0x2c: {  	s7 =	sld [smem:$0x3FB5]  }
0x2d: {  	s3 =	simm.s32 $0x108;
	s8 =	sld [smem:$0x3FB6]  }
0x2e: {  	s3 =	simm.s32 @!p0 $0x1082;
	s9 =	sld [smem:$0x3FB7]  }
0x2f: {  	lr =	sadd.s32 s0, s3;
	s0 =	sld [smem:$0x3FAE]  }
0x30: {  	s3 =	sld [smem:$0x3FB1]  }
0x31: {  	[smem:$0x3FBA] =	sst s10  }
0x32: {  	s10 =	sld [smem:$0x3FB8];
	_ =	sdelay $0x3  }
0x33: {  	p0 =	seq.s32 s10, $0x1;
	s10 =	sld [smem:$0x3FBA];
	_ =	sdelay $0x3  }
0x34: {  	[smem:$0x3FBA] =	sst s10  }
0x35: {  	s10 =	sld [smem:$0x3FB9];
	_ =	sdelay $0x3  }
0x36: {  	p1 =	seq.s32 s10, $0x1;
	s10 =	sld [smem:$0x3FBA];
	_ =	sdelay $0x3  }
0x37: {  	[smem:$0x3FBA] =	sst s10  }
0x38: {  	s10 =	sld [smem:$0x3FBB]  }
0x39: {  	_ = 	snop;
	(pc) =	sbr.ind lr, $3  }
0x3a: {  	_ = 	snop  }
0x3b: {  	_ = 	snop  }
0x3c: {  	p2 =	seq.s32 s10, $0x1;
	s10 =	sld [smem:$0x3FBA]  }
0x3d: {  	_ =	shalt  }
0x3e: {  	_ =	shalt  }
0x3f: {  	_ =	shalt  }
0x40: {  	_ =	shalt  }
0x41: {  	_ =	shalt  }
0x42: {  	_ =	shalt  }
0x43: {  	_ =	shalt  }
0x44: {  	_ =	shalt  }
0x45: {  	_ =	shalt  }
0x46: {  	_ =	shalt  }
0x47: {  	_ =	shalt  }
0x48: {  	_ =	shalt  }
0x49: {  	_ =	shalt  }
0x4a: {  	_ =	shalt  }
0x4b: {  	_ =	shalt  }
0x4c: {  	_ =	shalt  }
0x4d: {  	_ =	shalt  }
0x4e: {  	_ =	shalt  }
0x4f: {  	_ =	shalt  }
0x50: {  	_ =	shalt  }
0x51: {  	_ =	shalt  }
0x52: {  	_ =	shalt  }
0x53: {  	_ =	shalt  }
0x54: {  	_ =	shalt  }
0x55: {  	_ =	shalt  }
0x56: {  	_ =	shalt  }
0x57: {  	_ =	shalt  }
0x58: {  	_ =	shalt  }
0x59: {  	_ =	shalt  }
0x5a: {  	_ =	shalt  }
0x5b: {  	_ =	shalt  }
0x5c: {  	_ =	shalt  }
0x5d: {  	_ =	shalt  }
0x5e: {  	_ =	shalt  }
0x5f: {  	_ =	shalt  }
0x60: {  	_ =	shalt  }
0x61: {  	_ =	shalt  }
0x62: {  	_ =	shalt  }
0x63: {  	_ =	shalt  }
0x64: {  	_ =	shalt  }
0x65: {  	_ =	shalt  }
0x66: {  	_ =	shalt  }
0x67: {  	_ =	shalt  }
0x68: {  	_ =	shalt  }
0x69: {  	_ =	shalt  }
0x6a: {  	_ =	shalt  }
0x6b: {  	_ =	shalt  }
0x6c: {  	_ =	shalt  }
0x6d: {  	_ =	shalt  }
0x6e: {  	_ =	shalt  }
0x6f: {  	_ =	shalt  }
0x70: {  	_ =	shalt  }
0x71: {  	_ =	shalt  }
0x72: {  	_ =	shalt  }
0x73: {  	_ =	shalt  }
0x74: {  	_ =	shalt  }
0x75: {  	_ =	shalt  }
0x76: {  	_ =	shalt  }
0x77: {  	_ =	shalt  }
0x78: {  	_ =	shalt  }
0x79: {  	_ =	shalt  }
0x7a: {  	_ =	shalt  }
0x7b: {  	_ =	shalt  }
0x7c: {  	_ =	shalt  }
0x7d: {  	_ =	shalt  }
0x7e: {  	_ =	shalt  }
0x7f: {  	_ =	shalt  }
0x80: {  	_ =	shalt  }
0x81: {  	_ =	shalt  }
0x82: {  	_ =	shalt  }
0x83: {  	_ =	shalt  }
0x84: {  	_ =	shalt  }
0x85: {  	_ =	shalt  }
0x86: {  	_ =	shalt  }
0x87: {  	_ =	shalt  }
.Lfunc_end0:
.L_simem_size_0:
called_computation_lowered:
.L_overlay_start_0:
0x88: {  	s2 =	sld [smem:$0x3FD9]  }
0x89: {  	s3 =	sld [smem:$0x3FFE];
	_ =	sdelay $0x1  }
0x8a: {  	s1 =	srdreg.scid  }
0x8b: {  	s0 =	sand.u32 $0x1, s1  }
0x8c: {  	s18 =	sshll.u32 s0, $0xA;
	s2 =	sadd.s32 s3, s2  }
0x8d: {  	s2 =	sadd.s32 s2, s18  }
0x8e: {  	[smem:$0x3FC6] =	sst s2  }
0x8f: {  	_ = 	snop  }
0x90: {  	s2 =	sld [smem:$0x3FC9]  }
0x91: {  	s19 =	sld [smem:$0x3FC8]  }
0x92: {  	s4 =	sld [smem:$0x3FD0];
	(tm) =	ssettm $0x1  }
0x93: {  	s5 =	sld [smem:$0x3FFB];
	_ =	sdelay $0x3  }
0x94: {  	_ =	strace s5  }
0x95: {  	s5 =	sld [smem:$0x3FFC];
	_ =	sdelay $0x3  }
0x96: {  	_ =	strace s5  }
0x97: {  	s5 =	sld [smem:$0x3FFD];
	_ =	sdelay $0x3  }
0x98: {  	_ =	strace s5  }
0x99: {  	_ =	strace $0x8FFFFFFF  }
0x9a: {  	s20 =	sld [smem:$0x3FDB];
	_ =	sdelay $0x1  }
0x9b: {  	s6 =	simm.s32 $_scs_section_size  }
0x9c: {  	s7 =	simm.s32 $_size__tile_overlayer_lowered;
	s8 =	simm.s32 $_tile_overlayer_lowered  }
0x9d: {  	s23 =	simm.s32 $0x1BFF;
	s22 =	sshll.u32 s8, $0x1;
	s5 =	sadd.s32 s6, s20  }
0x9e: {  	s9 =	simm.s32 $0x0;
	s21 =	sshll.u32 s7, $0x1;
	s7 =	sadd.s32 s22, s5  }
0x9f: {  	[timem:s9], [sflag:s23] =	dma.local [hbm:s7], s21  }
0xa0: {  	_ =	swait.ge [sflag:s23], s21  }
0xa1: {  	s6 =	ssub.s32 $0x0, s21;
	[sflag:s23] =	ssyncset.done $0x0  }
0xa2: {  	[sflag:s23] =	ssyncadd.s32 s6;
	_ =	sdelay $0x1  }
0xa3: {  	s24 =	simm.s32 $0x1B8B  }
0xa4: {  	_ =	swait.ge [sflag:s24], $0x1  }
0xa5: {  	[sflag:s24] =	ssyncset.done $0x0  }
0xa6: {  	s25 =	simm.s32 $0x1B8E;
	[sflag:s24] =	ssyncadd.s32 $0xFFFFFFFF  }
0xa7: {  	s26 =	simm.s32 $execute0_lowered;
	[smem:$0x3FD2] =	sst s25  }
0xa8: {  	s6 =	sshll.u32 s26, $0x1;
	_ =	strace $0x80000046;
	[dreg:$0x1] =	wrdreg $0xFFFFFFFF  }
0xa9: {  	s28 =	simm.s32 $_size_execute0_lowered;
	s5 =	sadd.s32 s5, s6;
	[dreg:$0x0] =	wrdreg $0x0  }
0xaa: {  	s6 =	sshll.u32 s28, $0x1;
	[dreg:$0x2] =	wrdreg s5  }
0xab: {  	[dreg:$0x3] =	wrdreg s6  }
0xac: {  	[dreg:$0x4] =	wrdreg $0xC0  }
0xad: {  	_ =	task [dreg:s9], $0x5FFFF  }
0xae: {  	[dreg:$0x1] =	wrdreg $0xFFFFFFFF  }
0xaf: {  	[dreg:$0x0] =	wrdreg $0x60  }
0xb0: {  	[dreg:$0x2] =	wrdreg s2  }
0xb1: {  	[dreg:$0x3] =	wrdreg s19  }
0xb2: {  	[dreg:$0x4] =	wrdreg s4  }
0xb3: {  	[dreg:$0x5] =	wrdreg $0xC000  }
0xb4: {  	[dreg:$0x6] =	wrdreg $0x9  }
0xb5: {  	_ =	task.clear_ibuf [dreg:s9], $0x7FFFF;
	_ =	strace $0x90000046  }
0xb6: {  	s29 =	simm.s32 $0x9;
	_ =	strace $0x80000048  }
0xb7: {  	_ =	swait.ge [sflag:s29], $0x1  }
0xb8: {  	[sflag:s29] =	ssyncadd.s32 $0xFFFFFFFF  }
0xb9: {  	_ =	strace $0x90000048  }
0xba: {  	_ =	sfence  }
0xbb: {  	s30 =	sld [smem:$0x0];
	_ =	sdelay $0x2  }
0xbc: {  	s31 =	sshll.u32 s1, $0xD;
	s1 =	sshrl.u32 s1, $0x2  }
0xbd: {  	s3 =	sand.u32 $0x4000, s31;
	s1 =	sadd.s32 s1, s30  }
0xbe: {  	s0 =	sor.u32 s3, s0;
	s1 =	sshll.u32 s1, $0x11  }
0xbf: {  	s0 =	sor.u32 s1, s0  }
0xc0: {  	s0 =	sadd.s32 $0x8F2B, s0  }
0xc1: {  	[sflag:s0] =	ssyncadd.remote.s32 $0x1  }
0xc2: {  	_ =	sfence.sel $0xFFFF  }
0xc3: {  	[dreg:$0x0] =	wrdreg $0xFFFFFFFF;
	(pc) =	sbr.abs _section_cstart, $3  }
0xc4: {  	[dreg:$0x1] =	wrdreg $0xFFFFFFFF  }
0xc5: {  	_ =	task.clear_ibuf [dreg:s9], $0x2FFFF;
	_ =	strace $0x9FFFFFFF  }
0xc6: {  	(tm) =	ssettm $0x7FFFFFFF  }
0xc7: {  	_ =	shalt  }
tec
execute0_lowered:
.L_overlay_start_1:
0x0: {  	(tag) =	ssettag $0x1  }
0x1: {  	s4 =	rddreg [dreg:$0x0]  }
0x2: {  	s1 =	rddreg [dreg:$0x1]  }
0x3: {  	s6 =	rddreg [dreg:$0x2]  }
0x4: {  	s2 =	rddreg [dreg:$0x3]  }
0x5: {  	s5 =	srdreg.scid;
	s0 =	rddreg [dreg:$0x4];
	s3 =	simm.s32 $0x0  }
0x6: {  	s9 =	stileid.u32;
	s13 =	simm.s32 $0x2;
	s14 =	simm.s32 $0x0  }
0x7: {  	s5 =	sand.u32 $0x1, s5;
	[smem:$0x7FF] =	sst s3;
	s28 =	sshrl.u32 s9, $0x2  }
0x8: {  	s10 =	sand.u32 $0x3, s9;
	s11 =	sshll.u32 s9, $0x1;
	p0 =	sne.s32 s9, $0x0  }
0x9: {  	s31 =	sshll.u32 s9, $0x6;
	s7 =	ssub.s32 $0x2, s5;
	_ =	strace $0x80000047  }
0xa: {  	s12 =	sshll.u32 s28, $0x17;
	s10 =	sshll.u32 s10, $0x15;
	s11 =	sand.u32 $0x6, s11  }
0xb: {  	s29 =	sshll.u32 s5, $0x14;
	s9 =	sshrl.u32 @!p0 s2, $0x3;
	s8 =	sshrl.u32 s7, $0x1  }
0xc: {  	s10 =	sor.u32 s10, s12;
	s5 =	sor.u32 s5, s11;
	s11 =	sor.u32 $0x1C02, s31  }
0xd: {  	s12 =	simm.s32 $0x20;
	s7 =	ssub.s32 s7, s8;
	s8 =	sshll.u32 s28, $0x4  }
0xe: {  	s10 =	sor.u32 s29, s10;
	s5 =	sshll.u32 s5, $0x9;
	s4 =	sadd.s32 s4, s8  }
0xf: {  	s30 =	sshrl.u32 s10, $0x3;
	s8 =	simm.s32 $0x400;
	s10 =	simm.s32 $0x1  }
0x10: {  	s4 =	sadd.s32 s5, s4;
	s5 =	smax.u32 s7, $0x1;
	s6 =	sadd.s32 s30, s6  }
0x11: {  	s7 =	simm.s32 $0x200;
	[dreg:$0x5] =	wrdreg s6;
	s6 =	simm.s32 $0x80  }
.LBB2_1:
0x12: {  	[tilespmem:s3], [sflag:$0x1] =	stream.strided.gather [hbm4b:s4+s6], $0x400, s7, s6, $0x38;
	[tilespmem:$0xC80] =	vst v63  }
0x13: {  	s15 =	simm.s32 @!p0 $0x1C02  }
0x14: {  	[tilespmem:s8], [sflag:$0x1] =	stream.linear.gather [hbm4b:s1+s3], $0x800, $0x38;
	[tilespmem:$0xC80] =	vst v63  }
0x15: {  	[spmem:s9], [sflag:s15] =	dma.local @!p0 [hbm:s1], $0x100  }
0x16: {  	s15 =	simm.s32 @!p0 $0x2  }
0x17: {  	_ =	swait.ge @!p0 [sflag:s15], $0x100  }
0x18: {  	[sflag:s15] =	ssyncset.done @!p0 $0x0  }
0x19: {  	[sflag:s15] =	ssyncadd.s32 @!p0 $0xFFFFFF00  }
0x1a: {  	_ =	swait.ge [sflag:s10], $0x400  }
0x1b: {  	[sflag:s10] =	ssyncset.done $0x0  }
0x1c: {  	[sflag:s10] =	ssyncadd.s32 $0xFFFFFC00  }
0x1d: {  	_ =	swait.ge [sflag:s10], $0x800  }
0x1e: {  	[sflag:s10] =	ssyncset.done $0x0  }
0x1f: {  	[sflag:s10] =	ssyncadd.s32 $0xFFFFF800  }
0x20: {  	s16 =	simm.s32 $0x0;
	s15 =	simm.s32 $0x0;
	[bflag:$0x0] =	sbarrier.arrive $0xFFFF  }
.LBB2_2:
0x21: {  	v0 =	vld [tilespmem:s15+$0x0];
	_ =	sdelay $0x4  }
0x22: {  	(v2sf) =	vpush v0, $0x0;
	_ =	sdelay $0xe  }
0x23: {  	s17 =	spop (v2sf)  }
0x24: {  	(v2sf) =	vpush v0, $0x1;
	s19 =	sshll.u32 s17, $0x7  }
0x25: {  	s17 =	sshll.u32 s17, $0xA;
	s19 =	sand.u32 $0x80, s19  }
0x26: {  	s18 =	rddreg [dreg:$0x5];
	s19 =	sor.u32 s19, s17  }
0x27: {  	s17 =	sadd.s32 s16, s18;
	s23 =	sor.u32 $0x400, s19  }
0x28: {  	[hbm4b:s17+s3] =	stream.linear.scatter [tilespmem:s23], [sflag:$0x1], $0x80, $0x38;
	[tilespmem:$0xC80] =	vst v63  }
0x29: {  	s20 =	sor.u32 $0x500, s19;
	s21 =	sadd.s32 $0x80, s17  }
0x2a: {  	[hbm4b:s21+s3] =	stream.linear.scatter [tilespmem:s20], [sflag:$0x1], $0x80, $0x38;
	[tilespmem:$0xC80] =	vst v63  }
0x2b: {  	s24 =	sor.u32 $0x600, s19;
	s25 =	sadd.s32 $0x100, s17  }
0x2c: {  	[hbm4b:s25+s3] =	stream.linear.scatter [tilespmem:s24], [sflag:$0x1], $0x80, $0x38;
	[tilespmem:$0xC80] =	vst v63  }
0x2d: {  	s19 =	sor.u32 $0x700, s19;
	s26 =	sadd.s32 $0x180, s17  }
0x2e: {  	[hbm4b:s26+s3] =	stream.linear.scatter [tilespmem:s19], [sflag:$0x1], $0x80, $0x38;
	[tilespmem:$0xC80] =	vst v63  }
0x2f: {  	s29 =	sadd.s32 $0x200, s17;
	s28 =	sadd.s32 $0x400, s23  }
0x30: {  	[hbm4b:s29+s3] =	stream.linear.scatter [tilespmem:s28], [sflag:$0x1], $0x80, $0x38;
	[tilespmem:$0xC80] =	vst v63  }
0x31: {  	s31 =	sadd.s32 $0x280, s17;
	s30 =	sadd.s32 $0x500, s23  }
0x32: {  	[hbm4b:s31+s3] =	stream.linear.scatter [tilespmem:s30], [sflag:$0x1], $0x80, $0x38;
	[tilespmem:$0xC80] =	vst v63  }
0x33: {  	s22 =	sadd.s32 $0x300, s17;
	s21 =	sadd.s32 $0x600, s23;
	s24 =	spop (v2sf)  }
0x34: {  	(v2sf) =	vpush v0, $0x2;
	[hbm4b:s22+s3] =	stream.linear.scatter [tilespmem:s21], [sflag:$0x1], $0x80, $0x38;
	[tilespmem:$0xC80] =	vst v63  }
0x35: {  	s18 =	sadd.s32 $0x700, s23;
	s23 =	sadd.s32 $0x380, s17;
	s25 =	sshll.u32 s24, $0x7  }
0x36: {  	[hbm4b:s23+s3] =	stream.linear.scatter [tilespmem:s18], [sflag:$0x1], $0x80, $0x38;
	[tilespmem:$0xC80] =	vst v63  }
0x37: {  	s19 =	sand.u32 $0x80, s25;
	s18 =	sshll.u32 s24, $0xA  }
0x38: {  	s18 =	sor.u32 s19, s18  }
0x39: {  	s26 =	sadd.s32 $0x10, s17;
	s20 =	sor.u32 $0x400, s18  }
0x3a: {  	[hbm4b:s26+s3] =	stream.linear.scatter [tilespmem:s20], [sflag:$0x1], $0x80, $0x38;
	[tilespmem:$0xC80] =	vst v63  }
0x3b: {  	s29 =	sadd.s32 $0x90, s17;
	s28 =	sor.u32 $0x500, s18  }
0x3c: {  	[hbm4b:s29+s3] =	stream.linear.scatter [tilespmem:s28], [sflag:$0x1], $0x80, $0x38;
	[tilespmem:$0xC80] =	vst v63  }
0x3d: {  	s31 =	sadd.s32 $0x110, s17;
	s30 =	sor.u32 $0x600, s18  }
0x3e: {  	[hbm4b:s31+s3] =	stream.linear.scatter [tilespmem:s30], [sflag:$0x1], $0x80, $0x38;
	[tilespmem:$0xC80] =	vst v63  }
0x3f: {  	s22 =	sadd.s32 $0x190, s17;
	s18 =	sor.u32 $0x700, s18  }
0x40: {  	[hbm4b:s22+s3] =	stream.linear.scatter [tilespmem:s18], [sflag:$0x1], $0x80, $0x38;
	[tilespmem:$0xC80] =	vst v63  }
0x41: {  	s24 =	sadd.s32 $0x210, s17;
	s23 =	sadd.s32 $0x400, s20  }
0x42: {  	[hbm4b:s24+s3] =	stream.linear.scatter [tilespmem:s23], [sflag:$0x1], $0x80, $0x38;
	[tilespmem:$0xC80] =	vst v63  }
0x43: {  	s25 =	sadd.s32 $0x500, s20;
	s26 =	sadd.s32 $0x290, s17;
	s19 =	spop (v2sf)  }
0x44: {  	s28 =	sadd.s32 $0x600, s20;
	s30 =	sadd.s32 $0x700, s20;
	s20 =	sshll.u32 s19, $0x7  }
0x45: {  	(v2sf) =	vpush v0, $0x3;
	[hbm4b:s26+s3] =	stream.linear.scatter [tilespmem:s25], [sflag:$0x1], $0x80, $0x38;
	[tilespmem:$0xC80] =	vst v63  }
0x46: {  	s29 =	sadd.s32 $0x310, s17;
	s18 =	sshll.u32 s19, $0xA;
	s19 =	sand.u32 $0x80, s20  }
0x47: {  	[hbm4b:s29+s3] =	stream.linear.scatter [tilespmem:s28], [sflag:$0x1], $0x80, $0x38;
	[tilespmem:$0xC80] =	vst v63  }
0x48: {  	s31 =	sadd.s32 $0x390, s17;
	s18 =	sor.u32 s19, s18  }
0x49: {  	[hbm4b:s31+s3] =	stream.linear.scatter [tilespmem:s30], [sflag:$0x1], $0x80, $0x38;
	[tilespmem:$0xC80] =	vst v63  }
0x4a: {  	s21 =	sadd.s32 $0x20, s17;
	s20 =	sor.u32 $0x400, s18  }
0x4b: {  	[hbm4b:s21+s3] =	stream.linear.scatter [tilespmem:s20], [sflag:$0x1], $0x80, $0x38;
	[tilespmem:$0xC80] =	vst v63  }
0x4c: {  	s23 =	sadd.s32 $0xA0, s17;
	s22 =	sor.u32 $0x500, s18  }
0x4d: {  	[hbm4b:s23+s3] =	stream.linear.scatter [tilespmem:s22], [sflag:$0x1], $0x80, $0x38;
	[tilespmem:$0xC80] =	vst v63  }
0x4e: {  	s25 =	sadd.s32 $0x120, s17;
	s24 =	sor.u32 $0x600, s18  }
0x4f: {  	[hbm4b:s25+s3] =	stream.linear.scatter [tilespmem:s24], [sflag:$0x1], $0x80, $0x38;
	[tilespmem:$0xC80] =	vst v63  }
0x50: {  	s26 =	sadd.s32 $0x1A0, s17;
	s18 =	sor.u32 $0x700, s18  }
0x51: {  	[hbm4b:s26+s3] =	stream.linear.scatter [tilespmem:s18], [sflag:$0x1], $0x80, $0x38;
	[tilespmem:$0xC80] =	vst v63  }
0x52: {  	s29 =	sadd.s32 $0x220, s17;
	s28 =	sadd.s32 $0x400, s20  }
0x53: {  	[hbm4b:s29+s3] =	stream.linear.scatter [tilespmem:s28], [sflag:$0x1], $0x80, $0x38;
	[tilespmem:$0xC80] =	vst v63  }
0x54: {  	s30 =	sadd.s32 $0x500, s20;
	s31 =	sadd.s32 $0x2A0, s17;
	s24 =	spop (v2sf)  }
0x55: {  	[hbm4b:s31+s3] =	stream.linear.scatter [tilespmem:s30], [sflag:$0x1], $0x80, $0x38;
	[tilespmem:$0xC80] =	vst v63  }
0x56: {  	s19 =	sadd.s32 $0x600, s20;
	s21 =	sadd.s32 $0x320, s17;
	s25 =	sshll.u32 s24, $0xA  }
0x57: {  	[hbm4b:s21+s3] =	stream.linear.scatter [tilespmem:s19], [sflag:$0x1], $0x80, $0x38;
	[tilespmem:$0xC80] =	vst v63  }
0x58: {  	s22 =	sadd.s32 $0x700, s20;
	s18 =	sshll.u32 s24, $0x7;
	s19 =	sand.u32 $0xFFFFF800, s25  }
0x59: {  	s23 =	sadd.s32 $0x3A0, s17;
	s18 =	sand.u32 $0x80, s18;
	s19 =	sadd.s32 s19, s2  }
0x5a: {  	[hbm4b:s23+s3] =	stream.linear.scatter [tilespmem:s22], [sflag:$0x1], $0x80, $0x38;
	[tilespmem:$0xC80] =	vst v63  }
0x5b: {  	s18 =	sadd.s32 s18, s19  }
0x5c: {  	s26 =	sadd.s32 $0x30, s17;
	s18 =	sshrl.u32 s18, $0x3  }
0x5d: {  	[hbm:s26@s6], [sflag:s11] =	dma.strided [spmem:s18@s12], $0x80, s10, $0x10   }
0x5e: {  	(v2sf) =	vpush v0, $0x4;
	_ =	sdelay $0xe  }
0x5f: {  	s18 =	spop (v2sf)  }
0x60: {  	(v2sf) =	vpush v0, $0x5;
	s28 =	sshll.u32 s18, $0x7  }
0x61: {  	s18 =	sshll.u32 s18, $0xA;
	s19 =	sand.u32 $0x80, s28  }
0x62: {  	s18 =	sor.u32 s19, s18  }
0x63: {  	s29 =	sadd.s32 $0x40, s17;
	s20 =	sor.u32 $0x400, s18  }
0x64: {  	[hbm4b:s29+s3] =	stream.linear.scatter [tilespmem:s20], [sflag:$0x1], $0x80, $0x38;
	[tilespmem:$0xC80] =	vst v63  }
0x65: {  	s31 =	sadd.s32 $0xC0, s17;
	s30 =	sor.u32 $0x500, s18  }
0x66: {  	[hbm4b:s31+s3] =	stream.linear.scatter [tilespmem:s30], [sflag:$0x1], $0x80, $0x38;
	[tilespmem:$0xC80] =	vst v63  }
0x67: {  	s23 =	sadd.s32 $0x140, s17;
	s22 =	sor.u32 $0x600, s18  }
0x68: {  	[hbm4b:s23+s3] =	stream.linear.scatter [tilespmem:s22], [sflag:$0x1], $0x80, $0x38;
	[tilespmem:$0xC80] =	vst v63  }
0x69: {  	s24 =	sadd.s32 $0x1C0, s17;
	s18 =	sor.u32 $0x700, s18  }
0x6a: {  	[hbm4b:s24+s3] =	stream.linear.scatter [tilespmem:s18], [sflag:$0x1], $0x80, $0x38;
	[tilespmem:$0xC80] =	vst v63  }
0x6b: {  	s26 =	sadd.s32 $0x240, s17;
	s25 =	sadd.s32 $0x400, s20  }
0x6c: {  	[hbm4b:s26+s3] =	stream.linear.scatter [tilespmem:s25], [sflag:$0x1], $0x80, $0x38;
	[tilespmem:$0xC80] =	vst v63  }
0x6d: {  	s28 =	sadd.s32 $0x500, s20;
	s29 =	sadd.s32 $0x2C0, s17  }
0x6e: {  	[hbm4b:s29+s3] =	stream.linear.scatter [tilespmem:s28], [sflag:$0x1], $0x80, $0x38;
	[tilespmem:$0xC80] =	vst v63  }
0x6f: {  	s30 =	sadd.s32 $0x600, s20;
	s31 =	sadd.s32 $0x340, s17;
	s21 =	spop (v2sf)  }
0x70: {  	(v2sf) =	vpush v0, $0x6;
	[hbm4b:s31+s3] =	stream.linear.scatter [tilespmem:s30], [sflag:$0x1], $0x80, $0x38;
	[tilespmem:$0xC80] =	vst v63  }
0x71: {  	s19 =	sadd.s32 $0x700, s20;
	s20 =	sadd.s32 $0x3C0, s17;
	s22 =	sshll.u32 s21, $0x7  }
0x72: {  	[hbm4b:s20+s3] =	stream.linear.scatter [tilespmem:s19], [sflag:$0x1], $0x80, $0x38;
	[tilespmem:$0xC80] =	vst v63  }
0x73: {  	s18 =	sshll.u32 s21, $0xA;
	s19 =	sand.u32 $0x80, s22  }
0x74: {  	s18 =	sor.u32 s19, s18  }
0x75: {  	s23 =	sadd.s32 $0x50, s17;
	s20 =	sor.u32 $0x400, s18  }
0x76: {  	[hbm4b:s23+s3] =	stream.linear.scatter [tilespmem:s20], [sflag:$0x1], $0x80, $0x38;
	[tilespmem:$0xC80] =	vst v63  }
0x77: {  	s25 =	sadd.s32 $0xD0, s17;
	s24 =	sor.u32 $0x500, s18  }
0x78: {  	[hbm4b:s25+s3] =	stream.linear.scatter [tilespmem:s24], [sflag:$0x1], $0x80, $0x38;
	[tilespmem:$0xC80] =	vst v63  }
0x79: {  	s28 =	sadd.s32 $0x150, s17;
	s26 =	sor.u32 $0x600, s18  }
0x7a: {  	[hbm4b:s28+s3] =	stream.linear.scatter [tilespmem:s26], [sflag:$0x1], $0x80, $0x38;
	[tilespmem:$0xC80] =	vst v63  }
0x7b: {  	s29 =	sadd.s32 $0x1D0, s17;
	s18 =	sor.u32 $0x700, s18  }
0x7c: {  	[hbm4b:s29+s3] =	stream.linear.scatter [tilespmem:s18], [sflag:$0x1], $0x80, $0x38;
	[tilespmem:$0xC80] =	vst v63  }
0x7d: {  	s31 =	sadd.s32 $0x250, s17;
	s30 =	sadd.s32 $0x400, s20  }
0x7e: {  	[hbm4b:s31+s3] =	stream.linear.scatter [tilespmem:s30], [sflag:$0x1], $0x80, $0x38;
	[tilespmem:$0xC80] =	vst v63  }
0x7f: {  	s21 =	sadd.s32 $0x2D0, s17;
	s26 =	spop (v2sf);
	(v2sf) =	vpush v0, $0x7  }
0x80: {  	s19 =	sadd.s32 $0x500, s20;
	s22 =	sadd.s32 $0x600, s20;
	s28 =	sshll.u32 s26, $0x7  }
0x81: {  	[hbm4b:s21+s3] =	stream.linear.scatter [tilespmem:s19], [sflag:$0x1], $0x80, $0x38;
	[tilespmem:$0xC80] =	vst v63  }
0x82: {  	s23 =	sadd.s32 $0x350, s17;
	s18 =	sshll.u32 s26, $0xA;
	s19 =	sand.u32 $0x80, s28  }
0x83: {  	[hbm4b:s23+s3] =	stream.linear.scatter [tilespmem:s22], [sflag:$0x1], $0x80, $0x38;
	[tilespmem:$0xC80] =	vst v63  }
0x84: {  	s24 =	sadd.s32 $0x700, s20;
	s25 =	sadd.s32 $0x3D0, s17;
	s18 =	sor.u32 s19, s18  }
0x85: {  	[hbm4b:s25+s3] =	stream.linear.scatter [tilespmem:s24], [sflag:$0x1], $0x80, $0x38;
	[tilespmem:$0xC80] =	vst v63  }
0x86: {  	s29 =	sadd.s32 $0x60, s17;
	s20 =	sor.u32 $0x400, s18  }
0x87: {  	[hbm4b:s29+s3] =	stream.linear.scatter [tilespmem:s20], [sflag:$0x1], $0x80, $0x38;
	[tilespmem:$0xC80] =	vst v63  }
0x88: {  	s31 =	sadd.s32 $0xE0, s17;
	s30 =	sor.u32 $0x500, s18  }
0x89: {  	[hbm4b:s31+s3] =	stream.linear.scatter [tilespmem:s30], [sflag:$0x1], $0x80, $0x38;
	[tilespmem:$0xC80] =	vst v63  }
0x8a: {  	s22 =	sor.u32 $0x600, s18;
	s23 =	sadd.s32 $0x160, s17  }
0x8b: {  	[hbm4b:s23+s3] =	stream.linear.scatter [tilespmem:s22], [sflag:$0x1], $0x80, $0x38;
	[tilespmem:$0xC80] =	vst v63  }
0x8c: {  	s18 =	sor.u32 $0x700, s18;
	s24 =	sadd.s32 $0x1E0, s17  }
0x8d: {  	[hbm4b:s24+s3] =	stream.linear.scatter [tilespmem:s18], [sflag:$0x1], $0x80, $0x38;
	[tilespmem:$0xC80] =	vst v63  }
0x8e: {  	s26 =	sadd.s32 $0x260, s17;
	s25 =	sadd.s32 $0x400, s20;
	s22 =	spop (v2sf)  }
0x8f: {  	[hbm4b:s26+s3] =	stream.linear.scatter [tilespmem:s25], [sflag:$0x1], $0x80, $0x38;
	[tilespmem:$0xC80] =	vst v63  }
0x90: {  	s28 =	sadd.s32 $0x500, s20;
	s23 =	sshll.u32 s22, $0xA  }
0x91: {  	s29 =	sadd.s32 $0x2E0, s17;
	s18 =	sshll.u32 s22, $0x7;
	s19 =	sand.u32 $0xFFFFF800, s23  }
0x92: {  	[hbm4b:s29+s3] =	stream.linear.scatter [tilespmem:s28], [sflag:$0x1], $0x80, $0x38;
	[tilespmem:$0xC80] =	vst v63  }
0x93: {  	s21 =	sadd.s32 $0x3E0, s17;
	s18 =	sand.u32 $0x80, s18;
	s19 =	sadd.s32 s19, s2  }
0x94: {  	s30 =	sadd.s32 $0x600, s20;
	s31 =	sadd.s32 $0x360, s17;
	s18 =	sadd.s32 s18, s19  }
0x95: {  	[hbm4b:s31+s3] =	stream.linear.scatter [tilespmem:s30], [sflag:$0x1], $0x80, $0x38;
	[tilespmem:$0xC80] =	vst v63  }
0x96: {  	s20 =	sadd.s32 $0x700, s20;
	s24 =	sadd.s32 $0x70, s17;
	s18 =	sshrl.u32 s18, $0x3  }
0x97: {  	[hbm4b:s21+s3] =	stream.linear.scatter [tilespmem:s20], [sflag:$0x1], $0x80, $0x38;
	[tilespmem:$0xC80] =	vst v63  }
0x98: {  	[hbm:s24@s6], [sflag:s11] =	dma.strided [spmem:s18@s12], $0x80, s10, $0x10   }
0x99: {  	(v2sf) =	vpush v0, $0x8;
	_ =	sdelay $0xe  }
0x9a: {  	s18 =	spop (v2sf)  }
0x9b: {  	(v2sf) =	vpush v0, $0x9;
	s25 =	sshll.u32 s18, $0x7  }
0x9c: {  	s18 =	sshll.u32 s18, $0xA;
	s19 =	sand.u32 $0x80, s25  }
0x9d: {  	s18 =	sor.u32 s19, s18  }
0x9e: {  	s26 =	sadd.s32 $0x400, s17;
	s20 =	sor.u32 $0x400, s18  }
0x9f: {  	[hbm4b:s26+s3] =	stream.linear.scatter [tilespmem:s20], [sflag:$0x1], $0x80, $0x38;
	[tilespmem:$0xC80] =	vst v63  }
0xa0: {  	s29 =	sadd.s32 $0x480, s17;
	s28 =	sor.u32 $0x500, s18  }
0xa1: {  	[hbm4b:s29+s3] =	stream.linear.scatter [tilespmem:s28], [sflag:$0x1], $0x80, $0x38;
	[tilespmem:$0xC80] =	vst v63  }
0xa2: {  	s31 =	sadd.s32 $0x500, s17;
	s30 =	sor.u32 $0x600, s18  }
0xa3: {  	[hbm4b:s31+s3] =	stream.linear.scatter [tilespmem:s30], [sflag:$0x1], $0x80, $0x38;
	[tilespmem:$0xC80] =	vst v63  }
0xa4: {  	s22 =	sadd.s32 $0x580, s17;
	s18 =	sor.u32 $0x700, s18  }
0xa5: {  	[hbm4b:s22+s3] =	stream.linear.scatter [tilespmem:s18], [sflag:$0x1], $0x80, $0x38;
	[tilespmem:$0xC80] =	vst v63  }
0xa6: {  	s24 =	sadd.s32 $0x600, s17;
	s23 =	sadd.s32 $0x400, s20  }
0xa7: {  	[hbm4b:s24+s3] =	stream.linear.scatter [tilespmem:s23], [sflag:$0x1], $0x80, $0x38;
	[tilespmem:$0xC80] =	vst v63  }
0xa8: {  	s25 =	sadd.s32 $0x500, s20;
	s26 =	sadd.s32 $0x680, s17  }
0xa9: {  	[hbm4b:s26+s3] =	stream.linear.scatter [tilespmem:s25], [sflag:$0x1], $0x80, $0x38;
	[tilespmem:$0xC80] =	vst v63  }
0xaa: {  	s28 =	sadd.s32 $0x600, s20;
	s19 =	spop (v2sf)  }
0xab: {  	s29 =	sadd.s32 $0x700, s17;
	s30 =	sadd.s32 $0x700, s20;
	(v2sf) =	vpush v0, $0xA;
	s20 =	sshll.u32 s19, $0x7  }
0xac: {  	[hbm4b:s29+s3] =	stream.linear.scatter [tilespmem:s28], [sflag:$0x1], $0x80, $0x38;
	[tilespmem:$0xC80] =	vst v63  }
0xad: {  	s18 =	sshll.u32 s19, $0xA;
	s19 =	sand.u32 $0x80, s20  }
0xae: {  	s31 =	sadd.s32 $0x780, s17;
	s18 =	sor.u32 s19, s18  }
0xaf: {  	[hbm4b:s31+s3] =	stream.linear.scatter [tilespmem:s30], [sflag:$0x1], $0x80, $0x38;
	[tilespmem:$0xC80] =	vst v63  }
0xb0: {  	s21 =	sadd.s32 $0x410, s17;
	s20 =	sor.u32 $0x400, s18  }
0xb1: {  	[hbm4b:s21+s3] =	stream.linear.scatter [tilespmem:s20], [sflag:$0x1], $0x80, $0x38;
	[tilespmem:$0xC80] =	vst v63  }
0xb2: {  	s23 =	sadd.s32 $0x490, s17;
	s22 =	sor.u32 $0x500, s18  }
0xb3: {  	[hbm4b:s23+s3] =	stream.linear.scatter [tilespmem:s22], [sflag:$0x1], $0x80, $0x38;
	[tilespmem:$0xC80] =	vst v63  }
0xb4: {  	s25 =	sadd.s32 $0x510, s17;
	s24 =	sor.u32 $0x600, s18  }
0xb5: {  	[hbm4b:s25+s3] =	stream.linear.scatter [tilespmem:s24], [sflag:$0x1], $0x80, $0x38;
	[tilespmem:$0xC80] =	vst v63  }
0xb6: {  	s26 =	sadd.s32 $0x590, s17;
	s18 =	sor.u32 $0x700, s18  }
0xb7: {  	[hbm4b:s26+s3] =	stream.linear.scatter [tilespmem:s18], [sflag:$0x1], $0x80, $0x38;
	[tilespmem:$0xC80] =	vst v63  }
0xb8: {  	s29 =	sadd.s32 $0x610, s17;
	s28 =	sadd.s32 $0x400, s20  }
0xb9: {  	[hbm4b:s29+s3] =	stream.linear.scatter [tilespmem:s28], [sflag:$0x1], $0x80, $0x38;
	[tilespmem:$0xC80] =	vst v63  }
0xba: {  	s31 =	sadd.s32 $0x690, s17;
	s30 =	sadd.s32 $0x500, s20;
	s24 =	spop (v2sf)  }
0xbb: {  	[hbm4b:s31+s3] =	stream.linear.scatter [tilespmem:s30], [sflag:$0x1], $0x80, $0x38;
	[tilespmem:$0xC80] =	vst v63  }
0xbc: {  	s19 =	sadd.s32 $0x600, s20;
	s21 =	sadd.s32 $0x710, s17;
	(v2sf) =	vpush v0, $0xB;
	s25 =	sshll.u32 s24, $0x7  }
0xbd: {  	[hbm4b:s21+s3] =	stream.linear.scatter [tilespmem:s19], [sflag:$0x1], $0x80, $0x38;
	[tilespmem:$0xC80] =	vst v63  }
0xbe: {  	s18 =	sshll.u32 s24, $0xA;
	s19 =	sand.u32 $0x80, s25  }
0xbf: {  	s22 =	sadd.s32 $0x700, s20;
	s23 =	sadd.s32 $0x790, s17;
	s18 =	sor.u32 s19, s18  }
0xc0: {  	[hbm4b:s23+s3] =	stream.linear.scatter [tilespmem:s22], [sflag:$0x1], $0x80, $0x38;
	[tilespmem:$0xC80] =	vst v63  }
0xc1: {  	s26 =	sadd.s32 $0x420, s17;
	s20 =	sor.u32 $0x400, s18  }
0xc2: {  	[hbm4b:s26+s3] =	stream.linear.scatter [tilespmem:s20], [sflag:$0x1], $0x80, $0x38;
	[tilespmem:$0xC80] =	vst v63  }
0xc3: {  	s29 =	sadd.s32 $0x4A0, s17;
	s28 =	sor.u32 $0x500, s18  }
0xc4: {  	[hbm4b:s29+s3] =	stream.linear.scatter [tilespmem:s28], [sflag:$0x1], $0x80, $0x38;
	[tilespmem:$0xC80] =	vst v63  }
0xc5: {  	s31 =	sadd.s32 $0x520, s17;
	s30 =	sor.u32 $0x600, s18  }
0xc6: {  	[hbm4b:s31+s3] =	stream.linear.scatter [tilespmem:s30], [sflag:$0x1], $0x80, $0x38;
	[tilespmem:$0xC80] =	vst v63  }
0xc7: {  	s21 =	sadd.s32 $0x5A0, s17;
	s18 =	sor.u32 $0x700, s18  }
0xc8: {  	[hbm4b:s21+s3] =	stream.linear.scatter [tilespmem:s18], [sflag:$0x1], $0x80, $0x38;
	[tilespmem:$0xC80] =	vst v63  }
0xc9: {  	s23 =	sadd.s32 $0x620, s17;
	s22 =	sadd.s32 $0x400, s20  }
0xca: {  	[hbm4b:s23+s3] =	stream.linear.scatter [tilespmem:s22], [sflag:$0x1], $0x80, $0x38;
	[tilespmem:$0xC80] =	vst v63  }
0xcb: {  	s25 =	sadd.s32 $0x6A0, s17;
	s24 =	sadd.s32 $0x500, s20;
	s31 =	spop (v2sf)  }
0xcc: {  	s26 =	sadd.s32 $0x600, s20;
	s29 =	sadd.s32 $0x700, s20;
	s20 =	sshll.u32 s31, $0xA  }
0xcd: {  	[hbm4b:s25+s3] =	stream.linear.scatter [tilespmem:s24], [sflag:$0x1], $0x80, $0x38;
	[tilespmem:$0xC80] =	vst v63  }
0xce: {  	s18 =	sshll.u32 s31, $0x7;
	s19 =	sand.u32 $0xFFFFF800, s20  }
0xcf: {  	s28 =	sadd.s32 $0x720, s17;
	s18 =	sand.u32 $0x80, s18;
	s19 =	sadd.s32 s19, s2  }
0xd0: {  	[hbm4b:s28+s3] =	stream.linear.scatter [tilespmem:s26], [sflag:$0x1], $0x80, $0x38;
	[tilespmem:$0xC80] =	vst v63  }
0xd1: {  	s18 =	sadd.s32 s18, s19  }
0xd2: {  	s30 =	sadd.s32 $0x7A0, s17;
	s21 =	sadd.s32 $0x430, s17;
	s18 =	sshrl.u32 s18, $0x3  }
0xd3: {  	[hbm4b:s30+s3] =	stream.linear.scatter [tilespmem:s29], [sflag:$0x1], $0x80, $0x38;
	[tilespmem:$0xC80] =	vst v63  }
0xd4: {  	[hbm:s21@s6], [sflag:s11] =	dma.strided [spmem:s18@s12], $0x80, s10, $0x10   }
0xd5: {  	(v2sf) =	vpush v0, $0xC;
	_ =	sdelay $0xe  }
0xd6: {  	s18 =	spop (v2sf)  }
0xd7: {  	(v2sf) =	vpush v0, $0xD;
	s22 =	sshll.u32 s18, $0x7  }
0xd8: {  	s18 =	sshll.u32 s18, $0xA;
	s19 =	sand.u32 $0x80, s22  }
0xd9: {  	s18 =	sor.u32 s19, s18  }
0xda: {  	s23 =	sadd.s32 $0x440, s17;
	s20 =	sor.u32 $0x400, s18  }
0xdb: {  	[hbm4b:s23+s3] =	stream.linear.scatter [tilespmem:s20], [sflag:$0x1], $0x80, $0x38;
	[tilespmem:$0xC80] =	vst v63  }
0xdc: {  	s25 =	sadd.s32 $0x4C0, s17;
	s24 =	sor.u32 $0x500, s18  }
0xdd: {  	[hbm4b:s25+s3] =	stream.linear.scatter [tilespmem:s24], [sflag:$0x1], $0x80, $0x38;
	[tilespmem:$0xC80] =	vst v63  }
0xde: {  	s28 =	sadd.s32 $0x540, s17;
	s26 =	sor.u32 $0x600, s18  }
0xdf: {  	[hbm4b:s28+s3] =	stream.linear.scatter [tilespmem:s26], [sflag:$0x1], $0x80, $0x38;
	[tilespmem:$0xC80] =	vst v63  }
0xe0: {  	s29 =	sadd.s32 $0x5C0, s17;
	s18 =	sor.u32 $0x700, s18  }
0xe1: {  	[hbm4b:s29+s3] =	stream.linear.scatter [tilespmem:s18], [sflag:$0x1], $0x80, $0x38;
	[tilespmem:$0xC80] =	vst v63  }
0xe2: {  	s31 =	sadd.s32 $0x640, s17;
	s30 =	sadd.s32 $0x400, s20  }
0xe3: {  	[hbm4b:s31+s3] =	stream.linear.scatter [tilespmem:s30], [sflag:$0x1], $0x80, $0x38;
	[tilespmem:$0xC80] =	vst v63  }
0xe4: {  	s21 =	sadd.s32 $0x6C0, s17;
	s19 =	sadd.s32 $0x500, s20  }
0xe5: {  	[hbm4b:s21+s3] =	stream.linear.scatter [tilespmem:s19], [sflag:$0x1], $0x80, $0x38;
	[tilespmem:$0xC80] =	vst v63  }
0xe6: {  	s26 =	spop (v2sf)  }
0xe7: {  	s22 =	sadd.s32 $0x600, s20;
	s23 =	sadd.s32 $0x740, s17;
	(v2sf) =	vpush v0, $0xE;
	s28 =	sshll.u32 s26, $0x7  }
0xe8: {  	[hbm4b:s23+s3] =	stream.linear.scatter [tilespmem:s22], [sflag:$0x1], $0x80, $0x38;
	[tilespmem:$0xC80] =	vst v63  }
0xe9: {  	s18 =	sshll.u32 s26, $0xA;
	s19 =	sand.u32 $0x80, s28  }
0xea: {  	s24 =	sadd.s32 $0x700, s20;
	s25 =	sadd.s32 $0x7C0, s17;
	s18 =	sor.u32 s19, s18  }
0xeb: {  	[hbm4b:s25+s3] =	stream.linear.scatter [tilespmem:s24], [sflag:$0x1], $0x80, $0x38;
	[tilespmem:$0xC80] =	vst v63  }
0xec: {  	s29 =	sadd.s32 $0x450, s17;
	s20 =	sor.u32 $0x400, s18  }
0xed: {  	[hbm4b:s29+s3] =	stream.linear.scatter [tilespmem:s20], [sflag:$0x1], $0x80, $0x38;
	[tilespmem:$0xC80] =	vst v63  }
0xee: {  	s31 =	sadd.s32 $0x4D0, s17;
	s30 =	sor.u32 $0x500, s18  }
0xef: {  	[hbm4b:s31+s3] =	stream.linear.scatter [tilespmem:s30], [sflag:$0x1], $0x80, $0x38;
	[tilespmem:$0xC80] =	vst v63  }
0xf0: {  	s23 =	sadd.s32 $0x550, s17;
	s22 =	sor.u32 $0x600, s18  }
0xf1: {  	[hbm4b:s23+s3] =	stream.linear.scatter [tilespmem:s22], [sflag:$0x1], $0x80, $0x38;
	[tilespmem:$0xC80] =	vst v63  }
0xf2: {  	s18 =	sor.u32 $0x700, s18;
	s24 =	sadd.s32 $0x5D0, s17  }
0xf3: {  	[hbm4b:s24+s3] =	stream.linear.scatter [tilespmem:s18], [sflag:$0x1], $0x80, $0x38;
	[tilespmem:$0xC80] =	vst v63  }
0xf4: {  	s26 =	sadd.s32 $0x650, s17;
	s25 =	sadd.s32 $0x400, s20  }
0xf5: {  	[hbm4b:s26+s3] =	stream.linear.scatter [tilespmem:s25], [sflag:$0x1], $0x80, $0x38;
	[tilespmem:$0xC80] =	vst v63  }
0xf6: {  	s28 =	sadd.s32 $0x500, s20;
	s29 =	sadd.s32 $0x6D0, s17;
	s23 =	spop (v2sf)  }
0xf7: {  	[hbm4b:s29+s3] =	stream.linear.scatter [tilespmem:s28], [sflag:$0x1], $0x80, $0x38;
	[tilespmem:$0xC80] =	vst v63  }
0xf8: {  	s30 =	sadd.s32 $0x600, s20;
	(v2sf) =	vpush v0, $0xF;
	s24 =	sshll.u32 s23, $0x7  }
0xf9: {  	s31 =	sadd.s32 $0x750, s17;
	s18 =	sshll.u32 s23, $0xA;
	s19 =	sand.u32 $0x80, s24  }
0xfa: {  	[hbm4b:s31+s3] =	stream.linear.scatter [tilespmem:s30], [sflag:$0x1], $0x80, $0x38;
	[tilespmem:$0xC80] =	vst v63  }
0xfb: {  	s21 =	sadd.s32 $0x700, s20;
	s22 =	sadd.s32 $0x7D0, s17;
	s18 =	sor.u32 s19, s18  }
0xfc: {  	[hbm4b:s22+s3] =	stream.linear.scatter [tilespmem:s21], [sflag:$0x1], $0x80, $0x38;
	[tilespmem:$0xC80] =	vst v63  }
0xfd: {  	s25 =	sadd.s32 $0x460, s17;
	s20 =	sor.u32 $0x400, s18  }
0xfe: {  	[hbm4b:s25+s3] =	stream.linear.scatter [tilespmem:s20], [sflag:$0x1], $0x80, $0x38;
	[tilespmem:$0xC80] =	vst v63  }
0xff: {  	s28 =	sadd.s32 $0x4E0, s17;
	s26 =	sor.u32 $0x500, s18  }
0x100: {  	[hbm4b:s28+s3] =	stream.linear.scatter [tilespmem:s26], [sflag:$0x1], $0x80, $0x38;
	[tilespmem:$0xC80] =	vst v63  }
0x101: {  	s30 =	sadd.s32 $0x560, s17;
	s29 =	sor.u32 $0x600, s18  }
0x102: {  	[hbm4b:s30+s3] =	stream.linear.scatter [tilespmem:s29], [sflag:$0x1], $0x80, $0x38;
	[tilespmem:$0xC80] =	vst v63  }
0x103: {  	s31 =	sadd.s32 $0x5E0, s17;
	s18 =	sor.u32 $0x700, s18  }
0x104: {  	[hbm4b:s31+s3] =	stream.linear.scatter [tilespmem:s18], [sflag:$0x1], $0x80, $0x38;
	[tilespmem:$0xC80] =	vst v63  }
0x105: {  	p1 =	sne.s32 s16, $0x1F800;
	s21 =	sadd.s32 $0x400, s20;
	s22 =	sadd.s32 $0x660, s17  }
0x106: {  	[hbm4b:s22+s3] =	stream.linear.scatter [tilespmem:s21], [sflag:$0x1], $0x80, $0x38;
	[tilespmem:$0xC80] =	vst v63  }
0x107: {  	s15 =	sadd.s32 $0x10, s15;
	s24 =	sadd.s32 $0x6E0, s17;
	s30 =	spop (v2sf)  }
0x108: {  	s23 =	sadd.s32 $0x500, s20;
	s25 =	sadd.s32 $0x600, s20;
	s31 =	sshll.u32 s30, $0xA  }
0x109: {  	[hbm4b:s24+s3] =	stream.linear.scatter [tilespmem:s23], [sflag:$0x1], $0x80, $0x38;
	[tilespmem:$0xC80] =	vst v63  }
0x10a: {  	s26 =	sadd.s32 $0x760, s17;
	s18 =	sshll.u32 s30, $0x7;
	s19 =	sand.u32 $0xFFFFF800, s31  }
0x10b: {  	[hbm4b:s26+s3] =	stream.linear.scatter [tilespmem:s25], [sflag:$0x1], $0x80, $0x38;
	[tilespmem:$0xC80] =	vst v63  }
.Ltmp0:
0x10c: {  	s18 =	sand.u32 $0x80, s18;
	s19 =	sadd.s32 s19, s2;
	(pc) =	sbr.rel @p1 .LBB2_2-.Ltmp0, $4  }
0x10d: {  	s16 =	sadd.s32 $0x800, s16;
	s28 =	sadd.s32 $0x700, s20;
	s18 =	sadd.s32 s18, s19  }
0x10e: {  	s29 =	sadd.s32 $0x7E0, s17;
	s17 =	sadd.s32 $0x470, s17;
	s18 =	sshrl.u32 s18, $0x3  }
0x10f: {  	[hbm4b:s29+s3] =	stream.linear.scatter [tilespmem:s28], [sflag:$0x1], $0x80, $0x38;
	[tilespmem:$0xC80] =	vst v63  }
0x110: {  	[hbm:s17@s6], [sflag:s11] =	dma.strided [spmem:s18@s12], $0x80, s10, $0x10   }
0x111: {  	s14 =	sadd.s32 $0x1, s14  }
0x112: {  	_ =	swait.ge [sflag:s10], $0x18000;
	p1 =	sne.s32 s14, s5  }
.Ltmp1:
0x113: {  	[sflag:s10] =	ssyncset.done $0x0;
	(pc) =	sbr.rel @p1 .LBB2_1-.Ltmp1, $4  }
0x114: {  	[sflag:s10] =	ssyncadd.s32 $0xFFFE8000  }
0x115: {  	_ =	swait.ge [sflag:s13], $0x8000  }
0x116: {  	[sflag:s13] =	ssyncset.done $0x0  }
0x117: {  	[sflag:s13] =	ssyncadd.s32 $0xFFFF8000  }
0x118: {  	_ =	sfence.sel $0x180000  }
0x119: {  	[bflag:$0x0] =	sbarrier.arrive $0xFFFF  }
0x11a: {  	_ =	strace $0x90000047  }
0x11b: {  	s0 =	sadd.s32 @!p0 $0x100000, s0;
	[bflag:$0x2] =	sbarrier.arrive $0xFFFF  }
0x11c: {  	[sflag:s0] =	ssyncadd.tile.s32 @!p0 $0x1;
	_ =	shalt  }
.Lfunc_end2:
_tile_overlayer_lowered:
.L_overlay_start_2:
0x11d: {  	(tag) =	ssettag $0x2  }
0x11e: {  	s0 =	rddreg [dreg:$0x0];
	s2 =	stileid.u32  }
0x11f: {  	s1 =	rddreg [dreg:$0x1];
	p0 =	sne.s32 s2, $0x0  }
0x120: {  	s3 =	rddreg [dreg:$0x2];
	[bflag:$0x3] =	sbarrier.arrive $0xFFFF;
	s2 =	simm.s32 @!p0 $0x1C03  }
0x121: {  	[timem:s3], [sflag:s2] =	dma.local @!p0 [hbm:s0], s1  }
0x122: {  	s0 =	simm.s32 @!p0 $0x3  }
0x123: {  	_ =	swait.ge @!p0 [sflag:s0], s1  }
0x124: {  	s1 =	ssub.s32 @!p0 $0x0, s1;
	[sflag:s0] =	ssyncset.done @!p0 $0x0  }
0x125: {  	[sflag:s0] =	ssyncadd.s32 @!p0 s1  }
0x126: {  	[bflag:$0x3] =	sbarrier.arrive $0xFFFF  }
0x127: {  	_ =	shalt  }

</sc_bundles>
